<compile_context>
chip_gen: v7x
topology: tpu7x:2x2x1
jax: 0.10.2.dev20260603
libtpu: 0.0.44.dev20260713+nightly
codegen_flags: <defaults>
</compile_context>

<pallas_src>
import functools

import jax
import jax.numpy as jnp
from jax import lax
from jax.experimental import pallas as pl
from jax.experimental.pallas import tpu as pltpu
from jax.experimental.pallas import tpu_sc as plsc

NC = 2
NS = 16
CH = 80
SEG = 5
SEGC = 25


def _deg_body(npt, dst_hbm, out0_hbm, out1_hbm, didx_v, ones_v, zeros_v,
              acc_sh):
    c = lax.axis_index("c")
    s = lax.axis_index("s")
    wid = c * NS + s

    def fill_ones(i, carry):
        ones_v[pl.ds(i * 16, 16)] = jnp.full((16,), 1.0, jnp.float32)
        return carry
    lax.fori_loop(0, CH // 16, fill_ones, 0)

    def fill_zeros(i, carry):
        zeros_v[pl.ds(i * 16, 16)] = jnp.zeros((16,), jnp.float32)
        return carry
    lax.fori_loop(0, 640 // 16, fill_zeros, 0)

    pltpu.sync_copy(zeros_v.at[pl.ds(0, npt)], acc_sh.at[pl.ds(s * npt, npt)])
    plsc.subcore_barrier()

    def seg_loop(g, carry):
        pltpu.sync_copy(dst_hbm.at[wid, g], didx_v)

        def fire(j, inner):
            pltpu.sync_copy(ones_v, acc_sh.at[didx_v.at[j]], add=True)
            return inner
        lax.fori_loop(0, SEGC, fire, 0)
        return carry
    lax.fori_loop(0, SEG, seg_loop, 0)

    plsc.subcore_barrier()

    @pl.when(c == 0)
    def _():
        pltpu.sync_copy(acc_sh.at[pl.ds(s * npt, npt)],
                        out0_hbm.at[pl.ds(s * npt, npt)])

    @pl.when(c == 1)
    def _():
        pltpu.sync_copy(acc_sh.at[pl.ds(s * npt, npt)],
                        out1_hbm.at[pl.ds(s * npt, npt)])


def _make_deg(n_pad):
    npt = n_pad // NS
    body = functools.partial(_deg_body, npt)
    return pl.kernel(
        body,
        [jax.ShapeDtypeStruct((n_pad,), jnp.float32),
         jax.ShapeDtypeStruct((n_pad,), jnp.float32)],
        mesh=plsc.VectorSubcoreMesh(core_axis_name="c", subcore_axis_name="s"),
        scratch_types=[
            pltpu.VMEM((SEGC, CH), jnp.int32),
            pltpu.VMEM((CH,), jnp.float32),
            pltpu.VMEM((640,), jnp.float32),
            pltpu.VMEM_SHARED((n_pad,), jnp.float32),
        ],
    )


def _prop_body(d, npt, y_hbm, src_hbm, dst_hbm, out_hbm, idx_v,
               rows_a, rows_b, rows_c, acc_sh,
               sem_ga, sem_gb, sem_gc, sem_sa, sem_sb, sem_sc):
    c = lax.axis_index("c")
    s = lax.axis_index("s")
    wid = c * NS + s

    nz = d // 16

    def fill_zeros(i, carry):
        rows_a[i // nz, pl.ds((i % nz) * 16, 16)] = jnp.zeros((16,),
                                                              jnp.float32)
        return carry
    lax.fori_loop(0, CH * nz, fill_zeros, 0)

    def zero_acc(j, carry):
        pltpu.sync_copy(rows_a, acc_sh.at[pl.ds(s * npt + j * CH, CH)])
        return carry
    lax.fori_loop(0, npt // CH, zero_acc, 0)
    plsc.subcore_barrier()

    def g_start(buf, sem, chunk):
        pltpu.async_copy(y_hbm.at[idx_v.at[0, chunk]], buf, sem)

    def g_wait(buf, sem):
        pltpu.make_async_copy(y_hbm.at[pl.ds(0, CH)], buf, sem).wait()

    def s_start(buf, sem, chunk):
        pltpu.async_copy(buf, acc_sh.at[idx_v.at[1, chunk]], sem, add=True)

    def s_wait(buf, sem, chunk):
        pltpu.make_async_copy(buf, acc_sh.at[idx_v.at[1, chunk]], sem).wait()

    def seg_loop(g, carry):
        pltpu.sync_copy(src_hbm.at[wid, g], idx_v.at[0])
        pltpu.sync_copy(dst_hbm.at[wid, g], idx_v.at[1])
        g_start(rows_a, sem_ga, 0)
        g_start(rows_b, sem_gb, 1)

        def triple(j, inner):
            c0 = 3 * j
            g_wait(rows_a, sem_ga)
            s_start(rows_a, sem_sa, c0)

            @pl.when(j > 0)
            def _():
                s_wait(rows_c, sem_sc, c0 - 1)
            g_start(rows_c, sem_gc, c0 + 2)

            g_wait(rows_b, sem_gb)
            s_start(rows_b, sem_sb, c0 + 1)

            s_wait(rows_a, sem_sa, c0)
            g_start(rows_a, sem_ga, c0 + 3)

            g_wait(rows_c, sem_gc)
            s_start(rows_c, sem_sc, c0 + 2)

            s_wait(rows_b, sem_sb, c0 + 1)

            @pl.when(j < (SEGC - 1) // 3 - 1)
            def _():
                g_start(rows_b, sem_gb, c0 + 4)
            return inner
        lax.fori_loop(0, (SEGC - 1) // 3, triple, 0)

        g_wait(rows_a, sem_ga)
        s_start(rows_a, sem_sa, SEGC - 1)
        s_wait(rows_c, sem_sc, SEGC - 2)
        s_wait(rows_a, sem_sa, SEGC - 1)
        return carry
    lax.fori_loop(0, SEG, seg_loop, 0)

    plsc.subcore_barrier()
    pltpu.sync_copy(acc_sh.at[pl.ds(s * npt, npt)],
                    out_hbm.at[c, pl.ds(s * npt, npt)])


def _make_prop(n, d, n_pad, tc_tiling=True):
    npt = n_pad // NS
    body = functools.partial(_prop_body, d, npt)
    return pl.kernel(
        body,
        jax.ShapeDtypeStruct((NC, n_pad, d), jnp.float32),
        mesh=plsc.VectorSubcoreMesh(core_axis_name="c", subcore_axis_name="s"),
        compiler_params=pltpu.CompilerParams(use_tc_tiling_on_sc=tc_tiling),
        scratch_types=[
            pltpu.VMEM((2, SEGC, CH), jnp.int32),
            pltpu.VMEM((CH, d), jnp.float32),
            pltpu.VMEM((CH, d), jnp.float32),
            pltpu.VMEM((CH, d), jnp.float32),
            pltpu.VMEM_SHARED((n_pad, d), jnp.float32),
            pltpu.SemaphoreType.DMA,
            pltpu.SemaphoreType.DMA,
            pltpu.SemaphoreType.DMA,
            pltpu.SemaphoreType.DMA,
            pltpu.SemaphoreType.DMA,
            pltpu.SemaphoreType.DMA,
        ],
    )


def _tc_a1_body(x_ref, w_ref, xw_ref):
    xw_ref[...] = jnp.dot(x_ref[...], w_ref[...],
                          preferred_element_type=jnp.float32)


def _tc_a2_body(deg0_ref, deg1_ref, xw_ref, y_ref, dinv_ref):
    dinv = lax.rsqrt(deg0_ref[...] + deg1_ref[...] + 1.0)
    y_ref[...] = xw_ref[...] * dinv[:, None]
    dinv_ref[...] = dinv


def _tc_b_body(p_ref, y1_ref, dinv_ref, b1_ref, w2_ref, y2_ref):
    dinv = dinv_ref[...][:, None]
    h = jnp.maximum(dinv * (p_ref[0] + p_ref[1] + y1_ref[...]) + b1_ref[...],
                    0.0)
    y2_ref[...] = jnp.dot(h, w2_ref[...],
                          preferred_element_type=jnp.float32) * dinv


def _tc_c_body(q_ref, y2_ref, dinv_ref, b2_ref, out_ref):
    z = (dinv_ref[...][:, None] * (q_ref[0] + q_ref[1] + y2_ref[...])
         + b2_ref[...])
    m = jnp.max(z, axis=1, keepdims=True)
    lse = jnp.log(jnp.sum(jnp.exp(z - m), axis=1, keepdims=True)) + m
    out_ref[...] = z - lse


def kernel(x, edge_index, W1, b1, W2, b2):
    n, f = x.shape
    nh = W1.shape[1]
    nc = W2.shape[1]
    e = edge_index.shape[1]
    n_pad = ((n + NS * 16 - 1) // (NS * 16)) * (NS * 16)
    R = 1024
    grid = (n_pad // R,)

    ei = edge_index.astype(jnp.int32)
    src4 = ei[0].reshape(NC * NS, SEG, SEGC, CH)
    dst4 = ei[1].reshape(NC * NS, SEG, SEGC, CH)

    deg0, deg1 = _make_deg(n_pad)(dst4)

    xw = pl.pallas_call(
        _tc_a1_body,
        grid=grid,
        in_specs=[
            pl.BlockSpec((R, f), lambda i: (i, 0)),
            pl.BlockSpec((f, nh), lambda i: (0, 0)),
        ],
        out_specs=pl.BlockSpec((R, nh), lambda i: (i, 0)),
        out_shape=jax.ShapeDtypeStruct((n, nh), jnp.float32),
    )(x, W1)

    y1, dinv = pl.pallas_call(
        _tc_a2_body,
        grid=grid,
        in_specs=[
            pl.BlockSpec((R,), lambda i: (i,)),
            pl.BlockSpec((R,), lambda i: (i,)),
            pl.BlockSpec((R, nh), lambda i: (i, 0)),
        ],
        out_specs=[
            pl.BlockSpec((R, nh), lambda i: (i, 0)),
            pl.BlockSpec((R,), lambda i: (i,)),
        ],
        out_shape=[
            jax.ShapeDtypeStruct((n, nh), jnp.float32),
            jax.ShapeDtypeStruct((n_pad,), jnp.float32),
        ],
    )(deg0, deg1, xw)

    p = _make_prop(n, nh, n_pad)(y1, src4, dst4)

    y2 = pl.pallas_call(
        _tc_b_body,
        grid=grid,
        in_specs=[
            pl.BlockSpec((NC, R, nh), lambda i: (0, i, 0)),
            pl.BlockSpec((R, nh), lambda i: (i, 0)),
            pl.BlockSpec((R,), lambda i: (i,)),
            pl.BlockSpec((1, nh), lambda i: (0, 0)),
            pl.BlockSpec((nh, nc), lambda i: (0, 0)),
        ],
        out_specs=pl.BlockSpec((R, nc), lambda i: (i, 0)),
        out_shape=jax.ShapeDtypeStruct((n, nc), jnp.float32),
    )(p, y1, dinv, b1.reshape(1, nh), W2)

    q = _make_prop(n, nc, n_pad, tc_tiling=False)(y2, src4, dst4)

    out = pl.pallas_call(
        _tc_c_body,
        grid=grid,
        in_specs=[
            pl.BlockSpec((NC, R, nc), lambda i: (0, i, 0)),
            pl.BlockSpec((R, nc), lambda i: (i, 0)),
            pl.BlockSpec((R,), lambda i: (i,)),
            pl.BlockSpec((1, nc), lambda i: (0, 0)),
        ],
        out_specs=pl.BlockSpec((R, nc), lambda i: (i, 0)),
        out_shape=jax.ShapeDtypeStruct((n, nc), jnp.float32),
    )(q, y2, dinv, b2.reshape(1, nc))

    return out

# --- scband reference (transcript-rebuilt; emitter-appended) ---
"""Pipeline reference for scband-gcn-38938173505764 (READ-ONLY COPY).

The authoritative reference and input builder live on the scoring server;
editing this copy changes nothing except your own understanding.
"""

import jax, jax.numpy as jnp
import numpy as np

N_NODES = 10000
N_EDGES = 320000
NFEAT = 128
NHID = 128
NCLASS = 64


def gcn_conv(x, edge_index, W, b):
    # Faithful PyG GCNConv: x' = D^{-1/2} (A + I) D^{-1/2} X W + b
    n = x.shape[0]
    src = edge_index[0]
    dst = edge_index[1]
    loop = jnp.arange(n, dtype=src.dtype)
    src = jnp.concatenate([src, loop])
    dst = jnp.concatenate([dst, loop])
    # degree of destination nodes (edge weights all ones)
    deg = jnp.zeros((n,), dtype=x.dtype).at[dst].add(1.0)
    deg_inv_sqrt = jnp.where(deg > 0, deg ** -0.5, 0.0)
    norm = deg_inv_sqrt[src] * deg_inv_sqrt[dst]
    xw = x @ W
    msg = xw[src] * norm[:, None]
    out = jnp.zeros((n, W.shape[1]), dtype=x.dtype).at[dst].add(msg)
    return out + b


def setup_inputs(seed: int = 0) -> dict:
    key = jax.random.key(seed)
    k_x, k_e, k_w1, k_w2 = jax.random.split(key, 4)
    x = jax.random.normal(k_x, (N_NODES, NFEAT), dtype=jnp.float32)
    edge_index = jax.random.randint(k_e, (2, N_EDGES), 0, N_NODES, dtype=jnp.int64)
    # glorot-style init for GCNConv linear weights
    s1 = (6.0 / (NFEAT + NHID)) ** 0.5
    W1 = jax.random.uniform(k_w1, (NFEAT, NHID), dtype=jnp.float32, minval=-s1, maxval=s1)
    b1 = jnp.zeros((NHID,), dtype=jnp.float32)
    s2 = (6.0 / (NHID + NCLASS)) ** 0.5
    W2 = jax.random.uniform(k_w2, (NHID, NCLASS), dtype=jnp.float32, minval=-s2, maxval=s2)
    b2 = jnp.zeros((NCLASS,), dtype=jnp.float32)
    return {"x": x, "edge_index": edge_index, "W1": W1, "b1": b1, "W2": W2, "b2": b2}


def reference(x, edge_index, W1, b1, W2, b2):
    # GCN.forward with pooling_type/readout_type/temporal_type = None, eval mode (dropout no-op)
    h = jax.nn.relu(gcn_conv(x, edge_index, W1, b1))
    h = gcn_conv(h, edge_index, W2, b2)
    return jax.nn.log_softmax(h, axis=1)

if __name__ == "__main__":
    import jax
    _d = setup_inputs()
    print(jax.jit(kernel)(*tuple(_d.values())))

</pallas_src>

<mosaic_0001>
#map = affine_map<(d0, d1) -> (0, 0, 0, 0)>
#map1 = affine_map<(d0, d1) -> (0)>
module attributes {stable_mosaic.version = 14 : i64} {
  func.func @_deg_body(%arg0: i32, %arg1: i32, %arg2: memref<32x5x25x80xi32, #tpu.memory_space<hbm>>, %arg3: memref<10240xf32, #tpu.memory_space<hbm>>, %arg4: memref<10240xf32, #tpu.memory_space<hbm>>, %arg5: memref<25x80xi32, #tpu.memory_space<vmem>>, %arg6: memref<80xf32, #tpu.memory_space<vmem>>, %arg7: memref<640xf32, #tpu.memory_space<vmem>>, %arg8: memref<10240xf32, #tpu.memory_space<vmem_shared>>) attributes {dimension_semantics = [#tpu.dimension_semantics<core_parallel>, #tpu.dimension_semantics<subcore_parallel>], iteration_bounds = array<i64: 2, 16>, scalar_prefetch = 0 : i64, scratch_operands = 4 : i64, tpu.core_type = #tpu.core_type<sc_vector_subcore>, window_params = [{transform_indices = #map}, {transform_indices = #map1}, {transform_indices = #map1}]} {
    %mul3A = arith.constant 16 : i32
    %mul3A_0 = arith.muli %arg0, %mul3A : i32
    %add3A = arith.addi %mul3A_0, %arg1 : i32
    %scan3A = arith.constant 0 : i32
    %scan3A_1 = arith.constant 0 : i32
    %scan3A_2 = arith.constant 5 : i32
    %scan3A_3 = arith.addi %scan3A_1, %scan3A_2 : i32
    %scan3A_4 = arith.constant 1 : i32
    scf.for %scan3A_28 = %scan3A_1 to %scan3A_3 step %scan3A_4  : i32 {
      %broadcast_in_dim3A = arith.constant 1.000000e+00 : f32
      %broadcast_in_dim3A_29 = vector.broadcast %broadcast_in_dim3A : f32 to vector<16xf32>
      %mul3A_30 = arith.constant 16 : i32
      %mul3A_31 = arith.muli %scan3A_28, %mul3A_30 : i32
      %swap3A = arith.index_cast %mul3A_31 : i32 to index
      %swap3A_32 = tpu.vector_load %arg6[%swap3A] {strides = array<i32>} : memref<80xf32, #tpu.memory_space<vmem>>, vector<16xf32>,
      %swap3A_33 = vector.shape_cast %swap3A_32 : vector<16xf32> to vector<16xf32>
      %swap3A_34 = vector.shape_cast %broadcast_in_dim3A_29 : vector<16xf32> to vector<16xf32>
      tpu.vector_store %arg6[%swap3A], %swap3A_34 {strides = array<i32>} : memref<80xf32, #tpu.memory_space<vmem>>, vector<16xf32>,
    }
    %scan3A_5 = arith.constant 5 : i32
    %scan3A_6 = arith.constant 0 : i32
    %scan3A_7 = arith.constant 0 : i32
    %scan3A_8 = arith.constant 40 : i32
    %scan3A_9 = arith.addi %scan3A_7, %scan3A_8 : i32
    %scan3A_10 = arith.constant 1 : i32
    scf.for %scan3A_28 = %scan3A_7 to %scan3A_9 step %scan3A_10  : i32 {
      %broadcast_in_dim3A = arith.constant 0.000000e+00 : f32
      %broadcast_in_dim3A_29 = vector.broadcast %broadcast_in_dim3A : f32 to vector<16xf32>
      %mul3A_30 = arith.constant 16 : i32
      %mul3A_31 = arith.muli %scan3A_28, %mul3A_30 : i32
      %swap3A = arith.index_cast %mul3A_31 : i32 to index
      %swap3A_32 = tpu.vector_load %arg7[%swap3A] {strides = array<i32>} : memref<640xf32, #tpu.memory_space<vmem>>, vector<16xf32>,
      %swap3A_33 = vector.shape_cast %swap3A_32 : vector<16xf32> to vector<16xf32>
      %swap3A_34 = vector.shape_cast %broadcast_in_dim3A_29 : vector<16xf32> to vector<16xf32>
      tpu.vector_store %arg7[%swap3A], %swap3A_34 {strides = array<i32>} : memref<640xf32, #tpu.memory_space<vmem>>, vector<16xf32>,
    }
    %scan3A_11 = arith.constant 40 : i32
    %mul3A_12 = arith.constant 640 : i32
    %mul3A_13 = arith.muli %arg1, %mul3A_12 : i32
    "tpu.region"() ({
      %run_scoped3A = tpu.sem_alloc : memref<!tpu.dma_semaphore, #tpu.memory_space<semaphore_mem>>
      %dma_start3A = arith.constant 0 : i32
      %dma_start3A_28 = tpu.memref_slice %arg7[%dma_start3A] : memref<640xf32, #tpu.memory_space<vmem>> -> memref<640xf32, #tpu.memory_space<vmem>>
      %dma_start3A_29 = tpu.memref_slice %arg8[%mul3A_13] : memref<10240xf32, #tpu.memory_space<vmem_shared>> -> memref<640xf32, #tpu.memory_space<vmem_shared>>
      %dma_start3A_30 = tpu.memref_slice %arg8[%mul3A_13] : memref<10240xf32, #tpu.memory_space<vmem_shared>> -> memref<640xf32, #tpu.memory_space<vmem_shared>>
      %dma_start3A_31 = arith.constant 0 : i32
      %dma_start3A_32 = tpu.memref_slice %arg7[%dma_start3A_31] : memref<640xf32, #tpu.memory_space<vmem>> -> memref<640xf32, #tpu.memory_space<vmem>>
      tpu.enqueue_dma source(%dma_start3A_32 : memref<640xf32, #tpu.memory_space<vmem>>) target(%dma_start3A_30 : memref<640xf32, #tpu.memory_space<vmem_shared>>) target_semaphore(%run_scoped3A : memref<!tpu.dma_semaphore, #tpu.memory_space<semaphore_mem>>)
      %dma_wait3A = arith.constant 0 : i32
      %dma_wait3A_33 = tpu.memref_slice %arg7[%dma_wait3A] : memref<640xf32, #tpu.memory_space<vmem>> -> memref<640xf32, #tpu.memory_space<vmem>>
      %dma_wait3A_34 = tpu.memref_slice %arg8[%mul3A_13] : memref<10240xf32, #tpu.memory_space<vmem_shared>> -> memref<640xf32, #tpu.memory_space<vmem_shared>>
      %dma_wait3A_35 = tpu.memref_slice %arg8[%mul3A_13] : memref<10240xf32, #tpu.memory_space<vmem_shared>> -> memref<640xf32, #tpu.memory_space<vmem_shared>>
      %dma_wait3A_36 = arith.constant 0 : i32
      %dma_wait3A_37 = tpu.memref_slice %arg7[%dma_wait3A_36] : memref<640xf32, #tpu.memory_space<vmem>> -> memref<640xf32, #tpu.memory_space<vmem>>
      tpu.wait_dma2 semaphore(%run_scoped3A : memref<!tpu.dma_semaphore, #tpu.memory_space<semaphore_mem>>) src(%dma_wait3A_37 : memref<640xf32, #tpu.memory_space<vmem>>) dst(%dma_wait3A_35 : memref<640xf32, #tpu.memory_space<vmem_shared>>)
      tpu.yield
    }) : () -> ()
    %barrier3A = arith.constant 0 : index
    tpu.barrier barrier_id(%barrier3A)
    %scan3A_14 = arith.constant 0 : i32
    %scan3A_15 = arith.constant 0 : i32
    %scan3A_16 = arith.constant 5 : i32
    %scan3A_17 = arith.addi %scan3A_15, %scan3A_16 : i32
    %scan3A_18 = arith.constant 1 : i32
    scf.for %scan3A_28 = %scan3A_15 to %scan3A_17 step %scan3A_18  : i32 {
      "tpu.region"() ({
        %run_scoped3A = tpu.sem_alloc : memref<!tpu.dma_semaphore, #tpu.memory_space<semaphore_mem>>
        %dma_start3A = arith.constant 0 : i32
        %dma_start3A_35 = arith.constant 0 : i32
        %dma_start3A_36 = tpu.memref_slice %arg2[%add3A, %scan3A_28, %dma_start3A, %dma_start3A_35] : memref<32x5x25x80xi32, #tpu.memory_space<hbm>> -> memref<1x1x25x80xi32, #tpu.memory_space<hbm>>
        %dma_start3A_37 = tpu.memref_squeeze %dma_start3A_36 : memref<1x1x25x80xi32, #tpu.memory_space<hbm>> -> memref<25x80xi32, #tpu.memory_space<hbm>>
        %dma_start3A_38 = arith.constant 0 : i32
        %dma_start3A_39 = arith.constant 0 : i32
        %dma_start3A_40 = tpu.memref_slice %arg2[%add3A, %scan3A_28, %dma_start3A_38, %dma_start3A_39] : memref<32x5x25x80xi32, #tpu.memory_space<hbm>> -> memref<1x1x25x80xi32, #tpu.memory_space<hbm>>
        %dma_start3A_41 = tpu.memref_squeeze %dma_start3A_40 : memref<1x1x25x80xi32, #tpu.memory_space<hbm>> -> memref<25x80xi32, #tpu.memory_space<hbm>>
        tpu.enqueue_dma source(%dma_start3A_41 : memref<25x80xi32, #tpu.memory_space<hbm>>) target(%arg5 : memref<25x80xi32, #tpu.memory_space<vmem>>) target_semaphore(%run_scoped3A : memref<!tpu.dma_semaphore, #tpu.memory_space<semaphore_mem>>)
        %dma_wait3A = arith.constant 0 : i32
        %dma_wait3A_42 = arith.constant 0 : i32
        %dma_wait3A_43 = tpu.memref_slice %arg2[%add3A, %scan3A_28, %dma_wait3A, %dma_wait3A_42] : memref<32x5x25x80xi32, #tpu.memory_space<hbm>> -> memref<1x1x25x80xi32, #tpu.memory_space<hbm>>
        %dma_wait3A_44 = tpu.memref_squeeze %dma_wait3A_43 : memref<1x1x25x80xi32, #tpu.memory_space<hbm>> -> memref<25x80xi32, #tpu.memory_space<hbm>>
        %dma_wait3A_45 = arith.constant 0 : i32
        %dma_wait3A_46 = arith.constant 0 : i32
        %dma_wait3A_47 = tpu.memref_slice %arg2[%add3A, %scan3A_28, %dma_wait3A_45, %dma_wait3A_46] : memref<32x5x25x80xi32, #tpu.memory_space<hbm>> -> memref<1x1x25x80xi32, #tpu.memory_space<hbm>>
        %dma_wait3A_48 = tpu.memref_squeeze %dma_wait3A_47 : memref<1x1x25x80xi32, #tpu.memory_space<hbm>> -> memref<25x80xi32, #tpu.memory_space<hbm>>
        tpu.wait_dma2 semaphore(%run_scoped3A : memref<!tpu.dma_semaphore, #tpu.memory_space<semaphore_mem>>) src(%dma_wait3A_48 : memref<25x80xi32, #tpu.memory_space<hbm>>) dst(%arg5 : memref<25x80xi32, #tpu.memory_space<vmem>>)
        tpu.yield
      }) : () -> ()
      %scan3A_29 = arith.constant 0 : i32
      %scan3A_30 = arith.constant 0 : i32
      %scan3A_31 = arith.constant 25 : i32
      %scan3A_32 = arith.addi %scan3A_30, %scan3A_31 : i32
      %scan3A_33 = arith.constant 1 : i32
      scf.for %scan3A_35 = %scan3A_30 to %scan3A_32 step %scan3A_33  : i32 {
        "tpu.region"() ({
          %run_scoped3A = tpu.sem_alloc : memref<!tpu.dma_semaphore, #tpu.memory_space<semaphore_mem>>
          %dma_start3A = arith.constant 0 : i32
          %dma_start3A_36 = tpu.memref_slice %arg5[%scan3A_35, %dma_start3A] : memref<25x80xi32, #tpu.memory_space<vmem>> -> memref<1x80xi32, #tpu.memory_space<vmem>>
          %dma_start3A_37 = tpu.memref_squeeze %dma_start3A_36 : memref<1x80xi32, #tpu.memory_space<vmem>> -> memref<80xi32, #tpu.memory_space<vmem>>
          %dma_start3A_38 = arith.constant 0 : i32
          %dma_start3A_39 = tpu.memref_slice %arg8[%dma_start3A_38] : memref<10240xf32, #tpu.memory_space<vmem_shared>> -> memref<10240xf32, #tpu.memory_space<vmem_shared>>
          tpu.enqueue_indirect_dma source(%arg6 : memref<80xf32, #tpu.memory_space<vmem>>) target(%dma_start3A_39 : memref<10240xf32, #tpu.memory_space<vmem_shared>>) offsets(%dma_start3A_37 : memref<80xi32, #tpu.memory_space<vmem>>) semaphore(%run_scoped3A : memref<!tpu.dma_semaphore, #tpu.memory_space<semaphore_mem>>) {add = true}
          %dma_wait3A = arith.constant 0 : i32
          %dma_wait3A_40 = tpu.memref_slice %arg5[%scan3A_35, %dma_wait3A] : memref<25x80xi32, #tpu.memory_space<vmem>> -> memref<1x80xi32, #tpu.memory_space<vmem>>
          %dma_wait3A_41 = tpu.memref_squeeze %dma_wait3A_40 : memref<1x80xi32, #tpu.memory_space<vmem>> -> memref<80xi32, #tpu.memory_space<vmem>>
          %dma_wait3A_42 = arith.constant 0 : i32
          %dma_wait3A_43 = tpu.memref_slice %arg8[%dma_wait3A_42] : memref<10240xf32, #tpu.memory_space<vmem_shared>> -> memref<10240xf32, #tpu.memory_space<vmem_shared>>
          tpu.wait_indirect_dma semaphore(%run_scoped3A : memref<!tpu.dma_semaphore, #tpu.memory_space<semaphore_mem>>) src(%arg6 : memref<80xf32, #tpu.memory_space<vmem>>) dst(%dma_wait3A_43 : memref<10240xf32, #tpu.memory_space<vmem_shared>>)
          tpu.yield
        }) : () -> ()
      }
      %scan3A_34 = arith.constant 25 : i32
    }
    %scan3A_19 = arith.constant 5 : i32
    %barrier3A_20 = arith.constant 0 : index
    tpu.barrier barrier_id(%barrier3A_20)
    %eq3A = arith.constant 0 : i32
    %eq3A_21 = arith.cmpi eq, %arg0, %eq3A : i32
    %convert_element_type3A = arith.extui %eq3A_21 : i1 to i32
    %cond3A = arith.constant 0 : i32
    %cond3A_22 = arith.cmpi ne, %convert_element_type3A, %cond3A : i32
    scf.if %cond3A_22 {
      %mul3A_28 = arith.constant 640 : i32
      %mul3A_29 = arith.muli %arg1, %mul3A_28 : i32
      %mul3A_30 = arith.constant 640 : i32
      %mul3A_31 = arith.muli %arg1, %mul3A_30 : i32
      "tpu.region"() ({
        %run_scoped3A = tpu.sem_alloc : memref<!tpu.dma_semaphore, #tpu.memory_space<semaphore_mem>>
        %dma_start3A = tpu.memref_slice %arg3[%mul3A_31] : memref<10240xf32, #tpu.memory_space<hbm>> -> memref<640xf32, #tpu.memory_space<hbm>>
        %dma_start3A_32 = tpu.memref_slice %arg8[%mul3A_29] : memref<10240xf32, #tpu.memory_space<vmem_shared>> -> memref<640xf32, #tpu.memory_space<vmem_shared>>
        tpu.enqueue_dma source(%dma_start3A_32 : memref<640xf32, #tpu.memory_space<vmem_shared>>) target(%dma_start3A : memref<640xf32, #tpu.memory_space<hbm>>) target_semaphore(%run_scoped3A : memref<!tpu.dma_semaphore, #tpu.memory_space<semaphore_mem>>)
        %dma_wait3A = tpu.memref_slice %arg3[%mul3A_31] : memref<10240xf32, #tpu.memory_space<hbm>> -> memref<640xf32, #tpu.memory_space<hbm>>
        %dma_wait3A_33 = tpu.memref_slice %arg8[%mul3A_29] : memref<10240xf32, #tpu.memory_space<vmem_shared>> -> memref<640xf32, #tpu.memory_space<vmem_shared>>
        tpu.wait_dma2 semaphore(%run_scoped3A : memref<!tpu.dma_semaphore, #tpu.memory_space<semaphore_mem>>) src(%dma_wait3A_33 : memref<640xf32, #tpu.memory_space<vmem_shared>>) dst(%dma_wait3A : memref<640xf32, #tpu.memory_space<hbm>>)
        tpu.yield
      }) : () -> ()
    } else {
    }
    %eq3A_23 = arith.constant 1 : i32
    %eq3A_24 = arith.cmpi eq, %arg0, %eq3A_23 : i32
    %convert_element_type3A_25 = arith.extui %eq3A_24 : i1 to i32
    %cond3A_26 = arith.constant 0 : i32
    %cond3A_27 = arith.cmpi ne, %convert_element_type3A_25, %cond3A_26 : i32
    scf.if %cond3A_27 {
      %mul3A_28 = arith.constant 640 : i32
      %mul3A_29 = arith.muli %arg1, %mul3A_28 : i32
      %mul3A_30 = arith.constant 640 : i32
      %mul3A_31 = arith.muli %arg1, %mul3A_30 : i32
      "tpu.region"() ({
        %run_scoped3A = tpu.sem_alloc : memref<!tpu.dma_semaphore, #tpu.memory_space<semaphore_mem>>
        %dma_start3A = tpu.memref_slice %arg4[%mul3A_31] : memref<10240xf32, #tpu.memory_space<hbm>> -> memref<640xf32, #tpu.memory_space<hbm>>
        %dma_start3A_32 = tpu.memref_slice %arg8[%mul3A_29] : memref<10240xf32, #tpu.memory_space<vmem_shared>> -> memref<640xf32, #tpu.memory_space<vmem_shared>>
        tpu.enqueue_dma source(%dma_start3A_32 : memref<640xf32, #tpu.memory_space<vmem_shared>>) target(%dma_start3A : memref<640xf32, #tpu.memory_space<hbm>>) target_semaphore(%run_scoped3A : memref<!tpu.dma_semaphore, #tpu.memory_space<semaphore_mem>>)
        %dma_wait3A = tpu.memref_slice %arg4[%mul3A_31] : memref<10240xf32, #tpu.memory_space<hbm>> -> memref<640xf32, #tpu.memory_space<hbm>>
        %dma_wait3A_33 = tpu.memref_slice %arg8[%mul3A_29] : memref<10240xf32, #tpu.memory_space<vmem_shared>> -> memref<640xf32, #tpu.memory_space<vmem_shared>>
        tpu.wait_dma2 semaphore(%run_scoped3A : memref<!tpu.dma_semaphore, #tpu.memory_space<semaphore_mem>>) src(%dma_wait3A_33 : memref<640xf32, #tpu.memory_space<vmem_shared>>) dst(%dma_wait3A : memref<640xf32, #tpu.memory_space<hbm>>)
        tpu.yield
      }) : () -> ()
    } else {
    }
    return
  }
}

#map = affine_map<(d0, d1) -> (0, 0)>
#map1 = affine_map<(d0, d1) -> (0, 0, 0, 0)>
#map2 = affine_map<(d0, d1) -> (0, 0, 0)>
module attributes {stable_mosaic.version = 14 : i64} {
  func.func @_prop_body(%arg0: i32, %arg1: i32, %arg2: memref<10000x128xf32, #tpu.memory_space<hbm>>, %arg3: memref<32x5x25x80xi32, #tpu.memory_space<hbm>>, %arg4: memref<32x5x25x80xi32, #tpu.memory_space<hbm>>, %arg5: memref<2x10240x128xf32, #tpu.memory_space<hbm>>, %arg6: memref<2x25x80xi32, #tpu.memory_space<vmem>>, %arg7: memref<80x128xf32, #tpu.memory_space<vmem>>, %arg8: memref<80x128xf32, #tpu.memory_space<vmem>>, %arg9: memref<80x128xf32, #tpu.memory_space<vmem>>, %arg10: memref<10240x128xf32, #tpu.memory_space<vmem_shared>>, %arg11: memref<!tpu.dma_semaphore, #tpu.memory_space<semaphore_mem>>, %arg12: memref<!tpu.dma_semaphore, #tpu.memory_space<semaphore_mem>>, %arg13: memref<!tpu.dma_semaphore, #tpu.memory_space<semaphore_mem>>, %arg14: memref<!tpu.dma_semaphore, #tpu.memory_space<semaphore_mem>>, %arg15: memref<!tpu.dma_semaphore, #tpu.memory_space<semaphore_mem>>, %arg16: memref<!tpu.dma_semaphore, #tpu.memory_space<semaphore_mem>>) attributes {dimension_semantics = [#tpu.dimension_semantics<core_parallel>, #tpu.dimension_semantics<subcore_parallel>], iteration_bounds = array<i64: 2, 16>, scalar_prefetch = 0 : i64, scratch_operands = 11 : i64, tpu.core_type = #tpu.core_type<sc_vector_subcore>, window_params = [{transform_indices = #map}, {transform_indices = #map1}, {transform_indices = #map1}, {transform_indices = #map2}]} {
    %mul3A = arith.constant 16 : i32
    %mul3A_0 = arith.muli %arg0, %mul3A : i32
    %add3A = arith.addi %mul3A_0, %arg1 : i32
    %scan3A = arith.constant 0 : i32
    %scan3A_1 = arith.constant 0 : i32
    %scan3A_2 = arith.constant 640 : i32
    %scan3A_3 = arith.addi %scan3A_1, %scan3A_2 : i32
    %scan3A_4 = arith.constant 1 : i32
    scf.for %scan3A_23 = %scan3A_1 to %scan3A_3 step %scan3A_4  : i32 {
      %broadcast_in_dim3A = arith.constant 0.000000e+00 : f32
      %broadcast_in_dim3A_24 = vector.broadcast %broadcast_in_dim3A : f32 to vector<16xf32>
      %jit3A = arith.constant 8 : i32
      %div3A = arith.divsi %scan3A_23, %jit3A : i32
      %sign3A = arith.constant 0 : i32
      %sign3A_25 = arith.cmpi sgt, %scan3A_23, %sign3A : i32
      %sign3A_26 = arith.extui %sign3A_25 : i1 to i32
      %sign3A_27 = arith.constant 0 : i32
      %sign3A_28 = arith.cmpi slt, %scan3A_23, %sign3A_27 : i32
      %sign3A_29 = arith.extui %sign3A_28 : i1 to i32
      %sign3A_30 = arith.subi %sign3A_26, %sign3A_29 : i32
      %sign3A_31 = arith.constant 0 : i32
      %sign3A_32 = arith.cmpi sgt, %jit3A, %sign3A_31 : i32
      %sign3A_33 = arith.extui %sign3A_32 : i1 to i32
      %sign3A_34 = arith.constant 0 : i32
      %sign3A_35 = arith.cmpi slt, %jit3A, %sign3A_34 : i32
      %sign3A_36 = arith.extui %sign3A_35 : i1 to i32
      %sign3A_37 = arith.subi %sign3A_33, %sign3A_36 : i32
      %ne3A = arith.cmpi ne, %sign3A_30, %sign3A_37 : i32
      %rem3A = arith.remsi %scan3A_23, %jit3A : i32
      %ne3A_38 = arith.constant 0 : i32
      %ne3A_39 = arith.cmpi ne, %rem3A, %ne3A_38 : i32
      %and3A = arith.andi %ne3A, %ne3A_39 : i1
      %sub3A = arith.constant 1 : i32
      %sub3A_40 = arith.subi %div3A, %sub3A : i32
      %select_n3A = arith.select %and3A, %sub3A_40, %div3A : i32
      %jit3A_41 = arith.constant 8 : i32
      %eq3A = arith.constant 0 : i32
      %eq3A_42 = arith.cmpi eq, %jit3A_41, %eq3A : i32
      %jit3A_43 = arith.constant 1 : i32
      %select_n3A_44 = arith.select %eq3A_42, %jit3A_43, %jit3A_41 : i32
      %rem3A_45 = arith.remsi %scan3A_23, %select_n3A_44 : i32
      %ne3A_46 = arith.constant 0 : i32
      %ne3A_47 = arith.cmpi ne, %rem3A_45, %ne3A_46 : i32
      %lt3A = arith.constant 0 : i32
      %lt3A_48 = arith.cmpi slt, %rem3A_45, %lt3A : i32
      %lt3A_49 = arith.constant 0 : i32
      %lt3A_50 = arith.cmpi slt, %select_n3A_44, %lt3A_49 : i32
      %ne3A_51 = arith.xori %lt3A_48, %lt3A_50 : i1
      %and3A_52 = arith.andi %ne3A_51, %ne3A_47 : i1
      %add3A_53 = arith.addi %rem3A_45, %select_n3A_44 : i32
      %select_n3A_54 = arith.select %and3A_52, %add3A_53, %rem3A_45 : i32
      %mul3A_55 = arith.constant 16 : i32
      %mul3A_56 = arith.muli %select_n3A_54, %mul3A_55 : i32
      %swap3A = arith.index_cast %select_n3A : i32 to index
      %swap3A_57 = arith.index_cast %mul3A_56 : i32 to index
      %swap3A_58 = tpu.vector_load %arg7[%swap3A, %swap3A_57] {strides = array<i32>} : memref<80x128xf32, #tpu.memory_space<vmem>>, vector<1x16xf32>,
      %swap3A_59 = vector.shape_cast %swap3A_58 : vector<1x16xf32> to vector<16xf32>
      %swap3A_60 = vector.shape_cast %broadcast_in_dim3A_24 : vector<16xf32> to vector<1x16xf32>
      tpu.vector_store %arg7[%swap3A, %swap3A_57], %swap3A_60 {strides = array<i32>} : memref<80x128xf32, #tpu.memory_space<vmem>>, vector<1x16xf32>,
    }
    %scan3A_5 = arith.constant 640 : i32
    %scan3A_6 = arith.constant 0 : i32
    %scan3A_7 = arith.constant 0 : i32
    %scan3A_8 = arith.constant 8 : i32
    %scan3A_9 = arith.addi %scan3A_7, %scan3A_8 : i32
    %scan3A_10 = arith.constant 1 : i32
    scf.for %scan3A_23 = %scan3A_7 to %scan3A_9 step %scan3A_10  : i32 {
      %mul3A_24 = arith.constant 640 : i32
      %mul3A_25 = arith.muli %arg1, %mul3A_24 : i32
      %mul3A_26 = arith.constant 80 : i32
      %mul3A_27 = arith.muli %scan3A_23, %mul3A_26 : i32
      %add3A_28 = arith.addi %mul3A_25, %mul3A_27 : i32
      "tpu.region"() ({
        %run_scoped3A = tpu.sem_alloc : memref<!tpu.dma_semaphore, #tpu.memory_space<semaphore_mem>>
        %dma_start3A = arith.constant 0 : i32
        %dma_start3A_29 = tpu.memref_slice %arg10[%add3A_28, %dma_start3A] : memref<10240x128xf32, #tpu.memory_space<vmem_shared>> -> memref<80x128xf32, #tpu.memory_space<vmem_shared>>
        %dma_start3A_30 = arith.constant 0 : i32
        %dma_start3A_31 = tpu.memref_slice %arg10[%add3A_28, %dma_start3A_30] : memref<10240x128xf32, #tpu.memory_space<vmem_shared>> -> memref<80x128xf32, #tpu.memory_space<vmem_shared>>
        tpu.enqueue_dma source(%arg7 : memref<80x128xf32, #tpu.memory_space<vmem>>) target(%dma_start3A_31 : memref<80x128xf32, #tpu.memory_space<vmem_shared>>) target_semaphore(%run_scoped3A : memref<!tpu.dma_semaphore, #tpu.memory_space<semaphore_mem>>)
        %dma_wait3A = arith.constant 0 : i32
        %dma_wait3A_32 = tpu.memref_slice %arg10[%add3A_28, %dma_wait3A] : memref<10240x128xf32, #tpu.memory_space<vmem_shared>> -> memref<80x128xf32, #tpu.memory_space<vmem_shared>>
        %dma_wait3A_33 = arith.constant 0 : i32
        %dma_wait3A_34 = tpu.memref_slice %arg10[%add3A_28, %dma_wait3A_33] : memref<10240x128xf32, #tpu.memory_space<vmem_shared>> -> memref<80x128xf32, #tpu.memory_space<vmem_shared>>
        tpu.wait_dma2 semaphore(%run_scoped3A : memref<!tpu.dma_semaphore, #tpu.memory_space<semaphore_mem>>) src(%arg7 : memref<80x128xf32, #tpu.memory_space<vmem>>) dst(%dma_wait3A_34 : memref<80x128xf32, #tpu.memory_space<vmem_shared>>)
        tpu.yield
      }) : () -> ()
    }
    %scan3A_11 = arith.constant 8 : i32
    %barrier3A = arith.constant 0 : index
    tpu.barrier barrier_id(%barrier3A)
    %scan3A_12 = arith.constant 0 : i32
    %scan3A_13 = arith.constant 0 : i32
    %scan3A_14 = arith.constant 5 : i32
    %scan3A_15 = arith.addi %scan3A_13, %scan3A_14 : i32
    %scan3A_16 = arith.constant 1 : i32
    scf.for %scan3A_23 = %scan3A_13 to %scan3A_15 step %scan3A_16  : i32 {
      %run_scoped3A = arith.constant 0 : i32
      "tpu.region"() ({
        %run_scoped3A_75 = tpu.sem_alloc : memref<!tpu.dma_semaphore, #tpu.memory_space<semaphore_mem>>
        %dma_start3A_76 = arith.constant 0 : i32
        %dma_start3A_77 = arith.constant 0 : i32
        %dma_start3A_78 = tpu.memref_slice %arg6[%run_scoped3A, %dma_start3A_76, %dma_start3A_77] : memref<2x25x80xi32, #tpu.memory_space<vmem>> -> memref<1x25x80xi32, #tpu.memory_space<vmem>>
        %dma_start3A_79 = tpu.memref_squeeze %dma_start3A_78 : memref<1x25x80xi32, #tpu.memory_space<vmem>> -> memref<25x80xi32, #tpu.memory_space<vmem>>
        %dma_start3A_80 = arith.constant 0 : i32
        %dma_start3A_81 = arith.constant 0 : i32
        %dma_start3A_82 = tpu.memref_slice %arg3[%add3A, %scan3A_23, %dma_start3A_80, %dma_start3A_81] : memref<32x5x25x80xi32, #tpu.memory_space<hbm>> -> memref<1x1x25x80xi32, #tpu.memory_space<hbm>>
        %dma_start3A_83 = tpu.memref_squeeze %dma_start3A_82 : memref<1x1x25x80xi32, #tpu.memory_space<hbm>> -> memref<25x80xi32, #tpu.memory_space<hbm>>
        %dma_start3A_84 = arith.constant 0 : i32
        %dma_start3A_85 = arith.constant 0 : i32
        %dma_start3A_86 = tpu.memref_slice %arg6[%run_scoped3A, %dma_start3A_84, %dma_start3A_85] : memref<2x25x80xi32, #tpu.memory_space<vmem>> -> memref<1x25x80xi32, #tpu.memory_space<vmem>>
        %dma_start3A_87 = tpu.memref_squeeze %dma_start3A_86 : memref<1x25x80xi32, #tpu.memory_space<vmem>> -> memref<25x80xi32, #tpu.memory_space<vmem>>
        %dma_start3A_88 = arith.constant 0 : i32
        %dma_start3A_89 = arith.constant 0 : i32
        %dma_start3A_90 = tpu.memref_slice %arg3[%add3A, %scan3A_23, %dma_start3A_88, %dma_start3A_89] : memref<32x5x25x80xi32, #tpu.memory_space<hbm>> -> memref<1x1x25x80xi32, #tpu.memory_space<hbm>>
        %dma_start3A_91 = tpu.memref_squeeze %dma_start3A_90 : memref<1x1x25x80xi32, #tpu.memory_space<hbm>> -> memref<25x80xi32, #tpu.memory_space<hbm>>
        tpu.enqueue_dma source(%dma_start3A_91 : memref<25x80xi32, #tpu.memory_space<hbm>>) target(%dma_start3A_87 : memref<25x80xi32, #tpu.memory_space<vmem>>) target_semaphore(%run_scoped3A_75 : memref<!tpu.dma_semaphore, #tpu.memory_space<semaphore_mem>>)
        %dma_wait3A_92 = arith.constant 0 : i32
        %dma_wait3A_93 = arith.constant 0 : i32
        %dma_wait3A_94 = tpu.memref_slice %arg6[%run_scoped3A, %dma_wait3A_92, %dma_wait3A_93] : memref<2x25x80xi32, #tpu.memory_space<vmem>> -> memref<1x25x80xi32, #tpu.memory_space<vmem>>
        %dma_wait3A_95 = tpu.memref_squeeze %dma_wait3A_94 : memref<1x25x80xi32, #tpu.memory_space<vmem>> -> memref<25x80xi32, #tpu.memory_space<vmem>>
        %dma_wait3A_96 = arith.constant 0 : i32
        %dma_wait3A_97 = arith.constant 0 : i32
        %dma_wait3A_98 = tpu.memref_slice %arg3[%add3A, %scan3A_23, %dma_wait3A_96, %dma_wait3A_97] : memref<32x5x25x80xi32, #tpu.memory_space<hbm>> -> memref<1x1x25x80xi32, #tpu.memory_space<hbm>>
        %dma_wait3A_99 = tpu.memref_squeeze %dma_wait3A_98 : memref<1x1x25x80xi32, #tpu.memory_space<hbm>> -> memref<25x80xi32, #tpu.memory_space<hbm>>
        %dma_wait3A_100 = arith.constant 0 : i32
        %dma_wait3A_101 = arith.constant 0 : i32
        %dma_wait3A_102 = tpu.memref_slice %arg6[%run_scoped3A, %dma_wait3A_100, %dma_wait3A_101] : memref<2x25x80xi32, #tpu.memory_space<vmem>> -> memref<1x25x80xi32, #tpu.memory_space<vmem>>
        %dma_wait3A_103 = tpu.memref_squeeze %dma_wait3A_102 : memref<1x25x80xi32, #tpu.memory_space<vmem>> -> memref<25x80xi32, #tpu.memory_space<vmem>>
        %dma_wait3A_104 = arith.constant 0 : i32
        %dma_wait3A_105 = arith.constant 0 : i32
        %dma_wait3A_106 = tpu.memref_slice %arg3[%add3A, %scan3A_23, %dma_wait3A_104, %dma_wait3A_105] : memref<32x5x25x80xi32, #tpu.memory_space<hbm>> -> memref<1x1x25x80xi32, #tpu.memory_space<hbm>>
        %dma_wait3A_107 = tpu.memref_squeeze %dma_wait3A_106 : memref<1x1x25x80xi32, #tpu.memory_space<hbm>> -> memref<25x80xi32, #tpu.memory_space<hbm>>
        tpu.wait_dma2 semaphore(%run_scoped3A_75 : memref<!tpu.dma_semaphore, #tpu.memory_space<semaphore_mem>>) src(%dma_wait3A_107 : memref<25x80xi32, #tpu.memory_space<hbm>>) dst(%dma_wait3A_103 : memref<25x80xi32, #tpu.memory_space<vmem>>)
        tpu.yield
      }) : () -> ()
      %run_scoped3A_24 = arith.constant 1 : i32
      "tpu.region"() ({
        %run_scoped3A_75 = tpu.sem_alloc : memref<!tpu.dma_semaphore, #tpu.memory_space<semaphore_mem>>
        %dma_start3A_76 = arith.constant 0 : i32
        %dma_start3A_77 = arith.constant 0 : i32
        %dma_start3A_78 = tpu.memref_slice %arg6[%run_scoped3A_24, %dma_start3A_76, %dma_start3A_77] : memref<2x25x80xi32, #tpu.memory_space<vmem>> -> memref<1x25x80xi32, #tpu.memory_space<vmem>>
        %dma_start3A_79 = tpu.memref_squeeze %dma_start3A_78 : memref<1x25x80xi32, #tpu.memory_space<vmem>> -> memref<25x80xi32, #tpu.memory_space<vmem>>
        %dma_start3A_80 = arith.constant 0 : i32
        %dma_start3A_81 = arith.constant 0 : i32
        %dma_start3A_82 = tpu.memref_slice %arg4[%add3A, %scan3A_23, %dma_start3A_80, %dma_start3A_81] : memref<32x5x25x80xi32, #tpu.memory_space<hbm>> -> memref<1x1x25x80xi32, #tpu.memory_space<hbm>>
        %dma_start3A_83 = tpu.memref_squeeze %dma_start3A_82 : memref<1x1x25x80xi32, #tpu.memory_space<hbm>> -> memref<25x80xi32, #tpu.memory_space<hbm>>
        %dma_start3A_84 = arith.constant 0 : i32
        %dma_start3A_85 = arith.constant 0 : i32
        %dma_start3A_86 = tpu.memref_slice %arg6[%run_scoped3A_24, %dma_start3A_84, %dma_start3A_85] : memref<2x25x80xi32, #tpu.memory_space<vmem>> -> memref<1x25x80xi32, #tpu.memory_space<vmem>>
        %dma_start3A_87 = tpu.memref_squeeze %dma_start3A_86 : memref<1x25x80xi32, #tpu.memory_space<vmem>> -> memref<25x80xi32, #tpu.memory_space<vmem>>
        %dma_start3A_88 = arith.constant 0 : i32
        %dma_start3A_89 = arith.constant 0 : i32
        %dma_start3A_90 = tpu.memref_slice %arg4[%add3A, %scan3A_23, %dma_start3A_88, %dma_start3A_89] : memref<32x5x25x80xi32, #tpu.memory_space<hbm>> -> memref<1x1x25x80xi32, #tpu.memory_space<hbm>>
        %dma_start3A_91 = tpu.memref_squeeze %dma_start3A_90 : memref<1x1x25x80xi32, #tpu.memory_space<hbm>> -> memref<25x80xi32, #tpu.memory_space<hbm>>
        tpu.enqueue_dma source(%dma_start3A_91 : memref<25x80xi32, #tpu.memory_space<hbm>>) target(%dma_start3A_87 : memref<25x80xi32, #tpu.memory_space<vmem>>) target_semaphore(%run_scoped3A_75 : memref<!tpu.dma_semaphore, #tpu.memory_space<semaphore_mem>>)
        %dma_wait3A_92 = arith.constant 0 : i32
        %dma_wait3A_93 = arith.constant 0 : i32
        %dma_wait3A_94 = tpu.memref_slice %arg6[%run_scoped3A_24, %dma_wait3A_92, %dma_wait3A_93] : memref<2x25x80xi32, #tpu.memory_space<vmem>> -> memref<1x25x80xi32, #tpu.memory_space<vmem>>
        %dma_wait3A_95 = tpu.memref_squeeze %dma_wait3A_94 : memref<1x25x80xi32, #tpu.memory_space<vmem>> -> memref<25x80xi32, #tpu.memory_space<vmem>>
        %dma_wait3A_96 = arith.constant 0 : i32
        %dma_wait3A_97 = arith.constant 0 : i32
        %dma_wait3A_98 = tpu.memref_slice %arg4[%add3A, %scan3A_23, %dma_wait3A_96, %dma_wait3A_97] : memref<32x5x25x80xi32, #tpu.memory_space<hbm>> -> memref<1x1x25x80xi32, #tpu.memory_space<hbm>>
        %dma_wait3A_99 = tpu.memref_squeeze %dma_wait3A_98 : memref<1x1x25x80xi32, #tpu.memory_space<hbm>> -> memref<25x80xi32, #tpu.memory_space<hbm>>
        %dma_wait3A_100 = arith.constant 0 : i32
        %dma_wait3A_101 = arith.constant 0 : i32
        %dma_wait3A_102 = tpu.memref_slice %arg6[%run_scoped3A_24, %dma_wait3A_100, %dma_wait3A_101] : memref<2x25x80xi32, #tpu.memory_space<vmem>> -> memref<1x25x80xi32, #tpu.memory_space<vmem>>
        %dma_wait3A_103 = tpu.memref_squeeze %dma_wait3A_102 : memref<1x25x80xi32, #tpu.memory_space<vmem>> -> memref<25x80xi32, #tpu.memory_space<vmem>>
        %dma_wait3A_104 = arith.constant 0 : i32
        %dma_wait3A_105 = arith.constant 0 : i32
        %dma_wait3A_106 = tpu.memref_slice %arg4[%add3A, %scan3A_23, %dma_wait3A_104, %dma_wait3A_105] : memref<32x5x25x80xi32, #tpu.memory_space<hbm>> -> memref<1x1x25x80xi32, #tpu.memory_space<hbm>>
        %dma_wait3A_107 = tpu.memref_squeeze %dma_wait3A_106 : memref<1x1x25x80xi32, #tpu.memory_space<hbm>> -> memref<25x80xi32, #tpu.memory_space<hbm>>
        tpu.wait_dma2 semaphore(%run_scoped3A_75 : memref<!tpu.dma_semaphore, #tpu.memory_space<semaphore_mem>>) src(%dma_wait3A_107 : memref<25x80xi32, #tpu.memory_space<hbm>>) dst(%dma_wait3A_103 : memref<25x80xi32, #tpu.memory_space<vmem>>)
        tpu.yield
      }) : () -> ()
      %dma_start3A = arith.constant 0 : i32
      %dma_start3A_25 = arith.constant 0 : i32
      %dma_start3A_26 = arith.constant 0 : i32
      %dma_start3A_27 = tpu.memref_slice %arg6[%dma_start3A, %dma_start3A_25, %dma_start3A_26] : memref<2x25x80xi32, #tpu.memory_space<vmem>> -> memref<1x1x80xi32, #tpu.memory_space<vmem>>
      %dma_start3A_28 = tpu.memref_squeeze %dma_start3A_27 : memref<1x1x80xi32, #tpu.memory_space<vmem>> -> memref<80xi32, #tpu.memory_space<vmem>>
      %dma_start3A_29 = arith.constant 0 : i32
      %dma_start3A_30 = arith.constant 0 : i32
      %dma_start3A_31 = tpu.memref_slice %arg2[%dma_start3A_29, %dma_start3A_30] : memref<10000x128xf32, #tpu.memory_space<hbm>> -> memref<10000x128xf32, #tpu.memory_space<hbm>>
      tpu.enqueue_indirect_dma source(%dma_start3A_31 : memref<10000x128xf32, #tpu.memory_space<hbm>>) target(%arg7 : memref<80x128xf32, #tpu.memory_space<vmem>>) offsets(%dma_start3A_28 : memref<80xi32, #tpu.memory_space<vmem>>) semaphore(%arg11 : memref<!tpu.dma_semaphore, #tpu.memory_space<semaphore_mem>>)
      %dma_start3A_32 = arith.constant 0 : i32
      %dma_start3A_33 = arith.constant 1 : i32
      %dma_start3A_34 = arith.constant 0 : i32
      %dma_start3A_35 = tpu.memref_slice %arg6[%dma_start3A_32, %dma_start3A_33, %dma_start3A_34] : memref<2x25x80xi32, #tpu.memory_space<vmem>> -> memref<1x1x80xi32, #tpu.memory_space<vmem>>
      %dma_start3A_36 = tpu.memref_squeeze %dma_start3A_35 : memref<1x1x80xi32, #tpu.memory_space<vmem>> -> memref<80xi32, #tpu.memory_space<vmem>>
      %dma_start3A_37 = arith.constant 0 : i32
      %dma_start3A_38 = arith.constant 0 : i32
      %dma_start3A_39 = tpu.memref_slice %arg2[%dma_start3A_37, %dma_start3A_38] : memref<10000x128xf32, #tpu.memory_space<hbm>> -> memref<10000x128xf32, #tpu.memory_space<hbm>>
      tpu.enqueue_indirect_dma source(%dma_start3A_39 : memref<10000x128xf32, #tpu.memory_space<hbm>>) target(%arg8 : memref<80x128xf32, #tpu.memory_space<vmem>>) offsets(%dma_start3A_36 : memref<80xi32, #tpu.memory_space<vmem>>) semaphore(%arg12 : memref<!tpu.dma_semaphore, #tpu.memory_space<semaphore_mem>>)
      %scan3A_40 = arith.constant 0 : i32
      %scan3A_41 = arith.constant 0 : i32
      %scan3A_42 = arith.constant 8 : i32
      %scan3A_43 = arith.addi %scan3A_41, %scan3A_42 : i32
      %scan3A_44 = arith.constant 1 : i32
      scf.for %scan3A_75 = %scan3A_41 to %scan3A_43 step %scan3A_44  : i32 {
        %mul3A_76 = arith.constant 3 : i32
        %mul3A_77 = arith.muli %mul3A_76, %scan3A_75 : i32
        %dma_wait3A_78 = arith.constant 0 : i32
        %dma_wait3A_79 = arith.constant 0 : i32
        %dma_wait3A_80 = tpu.memref_slice %arg2[%dma_wait3A_78, %dma_wait3A_79] : memref<10000x128xf32, #tpu.memory_space<hbm>> -> memref<80x128xf32, #tpu.memory_space<hbm>>
        %dma_wait3A_81 = arith.constant 0 : i32
        %dma_wait3A_82 = arith.constant 0 : i32
        %dma_wait3A_83 = tpu.memref_slice %arg2[%dma_wait3A_81, %dma_wait3A_82] : memref<10000x128xf32, #tpu.memory_space<hbm>> -> memref<80x128xf32, #tpu.memory_space<hbm>>
        tpu.wait_dma2 semaphore(%arg11 : memref<!tpu.dma_semaphore, #tpu.memory_space<semaphore_mem>>) src(%dma_wait3A_83 : memref<80x128xf32, #tpu.memory_space<hbm>>) dst(%arg7 : memref<80x128xf32, #tpu.memory_space<vmem>>)
        %dma_start3A_84 = arith.constant 1 : i32
        %dma_start3A_85 = arith.constant 0 : i32
        %dma_start3A_86 = tpu.memref_slice %arg6[%dma_start3A_84, %mul3A_77, %dma_start3A_85] : memref<2x25x80xi32, #tpu.memory_space<vmem>> -> memref<1x1x80xi32, #tpu.memory_space<vmem>>
        %dma_start3A_87 = tpu.memref_squeeze %dma_start3A_86 : memref<1x1x80xi32, #tpu.memory_space<vmem>> -> memref<80xi32, #tpu.memory_space<vmem>>
        %dma_start3A_88 = arith.constant 0 : i32
        %dma_start3A_89 = arith.constant 0 : i32
        %dma_start3A_90 = tpu.memref_slice %arg10[%dma_start3A_88, %dma_start3A_89] : memref<10240x128xf32, #tpu.memory_space<vmem_shared>> -> memref<10240x128xf32, #tpu.memory_space<vmem_shared>>
        tpu.enqueue_indirect_dma source(%arg7 : memref<80x128xf32, #tpu.memory_space<vmem>>) target(%dma_start3A_90 : memref<10240x128xf32, #tpu.memory_space<vmem_shared>>) offsets(%dma_start3A_87 : memref<80xi32, #tpu.memory_space<vmem>>) semaphore(%arg14 : memref<!tpu.dma_semaphore, #tpu.memory_space<semaphore_mem>>) {add = true}
        %gt3A = arith.constant 0 : i32
        %gt3A_91 = arith.cmpi sgt, %scan3A_75, %gt3A : i32
        %convert_element_type3A = arith.extui %gt3A_91 : i1 to i32
        %cond3A = arith.constant 0 : i32
        %cond3A_92 = arith.cmpi ne, %convert_element_type3A, %cond3A : i32
        scf.if %cond3A_92 {
          %sub3A = arith.constant 1 : i32
          %sub3A_161 = arith.subi %mul3A_77, %sub3A : i32
          %dma_wait3A_162 = arith.constant 1 : i32
          %dma_wait3A_163 = arith.constant 0 : i32
          %dma_wait3A_164 = tpu.memref_slice %arg6[%dma_wait3A_162, %sub3A_161, %dma_wait3A_163] : memref<2x25x80xi32, #tpu.memory_space<vmem>> -> memref<1x1x80xi32, #tpu.memory_space<vmem>>
          %dma_wait3A_165 = tpu.memref_squeeze %dma_wait3A_164 : memref<1x1x80xi32, #tpu.memory_space<vmem>> -> memref<80xi32, #tpu.memory_space<vmem>>
          %dma_wait3A_166 = arith.constant 0 : i32
          %dma_wait3A_167 = arith.constant 0 : i32
          %dma_wait3A_168 = tpu.memref_slice %arg10[%dma_wait3A_166, %dma_wait3A_167] : memref<10240x128xf32, #tpu.memory_space<vmem_shared>> -> memref<10240x128xf32, #tpu.memory_space<vmem_shared>>
          tpu.wait_indirect_dma semaphore(%arg16 : memref<!tpu.dma_semaphore, #tpu.memory_space<semaphore_mem>>) src(%arg9 : memref<80x128xf32, #tpu.memory_space<vmem>>) dst(%dma_wait3A_168 : memref<10240x128xf32, #tpu.memory_space<vmem_shared>>)
        } else {
        }
        %add3A_93 = arith.constant 2 : i32
        %add3A_94 = arith.addi %mul3A_77, %add3A_93 : i32
        %dma_start3A_95 = arith.constant 0 : i32
        %dma_start3A_96 = arith.constant 0 : i32
        %dma_start3A_97 = tpu.memref_slice %arg6[%dma_start3A_95, %add3A_94, %dma_start3A_96] : memref<2x25x80xi32, #tpu.memory_space<vmem>> -> memref<1x1x80xi32, #tpu.memory_space<vmem>>
        %dma_start3A_98 = tpu.memref_squeeze %dma_start3A_97 : memref<1x1x80xi32, #tpu.memory_space<vmem>> -> memref<80xi32, #tpu.memory_space<vmem>>
        %dma_start3A_99 = arith.constant 0 : i32
        %dma_start3A_100 = arith.constant 0 : i32
        %dma_start3A_101 = tpu.memref_slice %arg2[%dma_start3A_99, %dma_start3A_100] : memref<10000x128xf32, #tpu.memory_space<hbm>> -> memref<10000x128xf32, #tpu.memory_space<hbm>>
        tpu.enqueue_indirect_dma source(%dma_start3A_101 : memref<10000x128xf32, #tpu.memory_space<hbm>>) target(%arg9 : memref<80x128xf32, #tpu.memory_space<vmem>>) offsets(%dma_start3A_98 : memref<80xi32, #tpu.memory_space<vmem>>) semaphore(%arg13 : memref<!tpu.dma_semaphore, #tpu.memory_space<semaphore_mem>>)
        %dma_wait3A_102 = arith.constant 0 : i32
        %dma_wait3A_103 = arith.constant 0 : i32
        %dma_wait3A_104 = tpu.memref_slice %arg2[%dma_wait3A_102, %dma_wait3A_103] : memref<10000x128xf32, #tpu.memory_space<hbm>> -> memref<80x128xf32, #tpu.memory_space<hbm>>
        %dma_wait3A_105 = arith.constant 0 : i32
        %dma_wait3A_106 = arith.constant 0 : i32
        %dma_wait3A_107 = tpu.memref_slice %arg2[%dma_wait3A_105, %dma_wait3A_106] : memref<10000x128xf32, #tpu.memory_space<hbm>> -> memref<80x128xf32, #tpu.memory_space<hbm>>
        tpu.wait_dma2 semaphore(%arg12 : memref<!tpu.dma_semaphore, #tpu.memory_space<semaphore_mem>>) src(%dma_wait3A_107 : memref<80x128xf32, #tpu.memory_space<hbm>>) dst(%arg8 : memref<80x128xf32, #tpu.memory_space<vmem>>)
        %add3A_108 = arith.constant 1 : i32
        %add3A_109 = arith.addi %mul3A_77, %add3A_108 : i32
        %dma_start3A_110 = arith.constant 1 : i32
        %dma_start3A_111 = arith.constant 0 : i32
        %dma_start3A_112 = tpu.memref_slice %arg6[%dma_start3A_110, %add3A_109, %dma_start3A_111] : memref<2x25x80xi32, #tpu.memory_space<vmem>> -> memref<1x1x80xi32, #tpu.memory_space<vmem>>
        %dma_start3A_113 = tpu.memref_squeeze %dma_start3A_112 : memref<1x1x80xi32, #tpu.memory_space<vmem>> -> memref<80xi32, #tpu.memory_space<vmem>>
        %dma_start3A_114 = arith.constant 0 : i32
        %dma_start3A_115 = arith.constant 0 : i32
        %dma_start3A_116 = tpu.memref_slice %arg10[%dma_start3A_114, %dma_start3A_115] : memref<10240x128xf32, #tpu.memory_space<vmem_shared>> -> memref<10240x128xf32, #tpu.memory_space<vmem_shared>>
        tpu.enqueue_indirect_dma source(%arg8 : memref<80x128xf32, #tpu.memory_space<vmem>>) target(%dma_start3A_116 : memref<10240x128xf32, #tpu.memory_space<vmem_shared>>) offsets(%dma_start3A_113 : memref<80xi32, #tpu.memory_space<vmem>>) semaphore(%arg15 : memref<!tpu.dma_semaphore, #tpu.memory_space<semaphore_mem>>) {add = true}
        %dma_wait3A_117 = arith.constant 1 : i32
        %dma_wait3A_118 = arith.constant 0 : i32
        %dma_wait3A_119 = tpu.memref_slice %arg6[%dma_wait3A_117, %mul3A_77, %dma_wait3A_118] : memref<2x25x80xi32, #tpu.memory_space<vmem>> -> memref<1x1x80xi32, #tpu.memory_space<vmem>>
        %dma_wait3A_120 = tpu.memref_squeeze %dma_wait3A_119 : memref<1x1x80xi32, #tpu.memory_space<vmem>> -> memref<80xi32, #tpu.memory_space<vmem>>
        %dma_wait3A_121 = arith.constant 0 : i32
        %dma_wait3A_122 = arith.constant 0 : i32
        %dma_wait3A_123 = tpu.memref_slice %arg10[%dma_wait3A_121, %dma_wait3A_122] : memref<10240x128xf32, #tpu.memory_space<vmem_shared>> -> memref<10240x128xf32, #tpu.memory_space<vmem_shared>>
        tpu.wait_indirect_dma semaphore(%arg14 : memref<!tpu.dma_semaphore, #tpu.memory_space<semaphore_mem>>) src(%arg7 : memref<80x128xf32, #tpu.memory_space<vmem>>) dst(%dma_wait3A_123 : memref<10240x128xf32, #tpu.memory_space<vmem_shared>>)
        %add3A_124 = arith.constant 3 : i32
        %add3A_125 = arith.addi %mul3A_77, %add3A_124 : i32
        %dma_start3A_126 = arith.constant 0 : i32
        %dma_start3A_127 = arith.constant 0 : i32
        %dma_start3A_128 = tpu.memref_slice %arg6[%dma_start3A_126, %add3A_125, %dma_start3A_127] : memref<2x25x80xi32, #tpu.memory_space<vmem>> -> memref<1x1x80xi32, #tpu.memory_space<vmem>>
        %dma_start3A_129 = tpu.memref_squeeze %dma_start3A_128 : memref<1x1x80xi32, #tpu.memory_space<vmem>> -> memref<80xi32, #tpu.memory_space<vmem>>
        %dma_start3A_130 = arith.constant 0 : i32
        %dma_start3A_131 = arith.constant 0 : i32
        %dma_start3A_132 = tpu.memref_slice %arg2[%dma_start3A_130, %dma_start3A_131] : memref<10000x128xf32, #tpu.memory_space<hbm>> -> memref<10000x128xf32, #tpu.memory_space<hbm>>
        tpu.enqueue_indirect_dma source(%dma_start3A_132 : memref<10000x128xf32, #tpu.memory_space<hbm>>) target(%arg7 : memref<80x128xf32, #tpu.memory_space<vmem>>) offsets(%dma_start3A_129 : memref<80xi32, #tpu.memory_space<vmem>>) semaphore(%arg11 : memref<!tpu.dma_semaphore, #tpu.memory_space<semaphore_mem>>)
        %dma_wait3A_133 = arith.constant 0 : i32
        %dma_wait3A_134 = arith.constant 0 : i32
        %dma_wait3A_135 = tpu.memref_slice %arg2[%dma_wait3A_133, %dma_wait3A_134] : memref<10000x128xf32, #tpu.memory_space<hbm>> -> memref<80x128xf32, #tpu.memory_space<hbm>>
        %dma_wait3A_136 = arith.constant 0 : i32
        %dma_wait3A_137 = arith.constant 0 : i32
        %dma_wait3A_138 = tpu.memref_slice %arg2[%dma_wait3A_136, %dma_wait3A_137] : memref<10000x128xf32, #tpu.memory_space<hbm>> -> memref<80x128xf32, #tpu.memory_space<hbm>>
        tpu.wait_dma2 semaphore(%arg13 : memref<!tpu.dma_semaphore, #tpu.memory_space<semaphore_mem>>) src(%dma_wait3A_138 : memref<80x128xf32, #tpu.memory_space<hbm>>) dst(%arg9 : memref<80x128xf32, #tpu.memory_space<vmem>>)
        %add3A_139 = arith.constant 2 : i32
        %add3A_140 = arith.addi %mul3A_77, %add3A_139 : i32
        %dma_start3A_141 = arith.constant 1 : i32
        %dma_start3A_142 = arith.constant 0 : i32
        %dma_start3A_143 = tpu.memref_slice %arg6[%dma_start3A_141, %add3A_140, %dma_start3A_142] : memref<2x25x80xi32, #tpu.memory_space<vmem>> -> memref<1x1x80xi32, #tpu.memory_space<vmem>>
        %dma_start3A_144 = tpu.memref_squeeze %dma_start3A_143 : memref<1x1x80xi32, #tpu.memory_space<vmem>> -> memref<80xi32, #tpu.memory_space<vmem>>
        %dma_start3A_145 = arith.constant 0 : i32
        %dma_start3A_146 = arith.constant 0 : i32
        %dma_start3A_147 = tpu.memref_slice %arg10[%dma_start3A_145, %dma_start3A_146] : memref<10240x128xf32, #tpu.memory_space<vmem_shared>> -> memref<10240x128xf32, #tpu.memory_space<vmem_shared>>
        tpu.enqueue_indirect_dma source(%arg9 : memref<80x128xf32, #tpu.memory_space<vmem>>) target(%dma_start3A_147 : memref<10240x128xf32, #tpu.memory_space<vmem_shared>>) offsets(%dma_start3A_144 : memref<80xi32, #tpu.memory_space<vmem>>) semaphore(%arg16 : memref<!tpu.dma_semaphore, #tpu.memory_space<semaphore_mem>>) {add = true}
        %add3A_148 = arith.constant 1 : i32
        %add3A_149 = arith.addi %mul3A_77, %add3A_148 : i32
        %dma_wait3A_150 = arith.constant 1 : i32
        %dma_wait3A_151 = arith.constant 0 : i32
        %dma_wait3A_152 = tpu.memref_slice %arg6[%dma_wait3A_150, %add3A_149, %dma_wait3A_151] : memref<2x25x80xi32, #tpu.memory_space<vmem>> -> memref<1x1x80xi32, #tpu.memory_space<vmem>>
        %dma_wait3A_153 = tpu.memref_squeeze %dma_wait3A_152 : memref<1x1x80xi32, #tpu.memory_space<vmem>> -> memref<80xi32, #tpu.memory_space<vmem>>
        %dma_wait3A_154 = arith.constant 0 : i32
        %dma_wait3A_155 = arith.constant 0 : i32
        %dma_wait3A_156 = tpu.memref_slice %arg10[%dma_wait3A_154, %dma_wait3A_155] : memref<10240x128xf32, #tpu.memory_space<vmem_shared>> -> memref<10240x128xf32, #tpu.memory_space<vmem_shared>>
        tpu.wait_indirect_dma semaphore(%arg15 : memref<!tpu.dma_semaphore, #tpu.memory_space<semaphore_mem>>) src(%arg8 : memref<80x128xf32, #tpu.memory_space<vmem>>) dst(%dma_wait3A_156 : memref<10240x128xf32, #tpu.memory_space<vmem_shared>>)
        %lt3A = arith.constant 7 : i32
        %lt3A_157 = arith.cmpi slt, %scan3A_75, %lt3A : i32
        %convert_element_type3A_158 = arith.extui %lt3A_157 : i1 to i32
        %cond3A_159 = arith.constant 0 : i32
        %cond3A_160 = arith.cmpi ne, %convert_element_type3A_158, %cond3A_159 : i32
        scf.if %cond3A_160 {
          %add3A_161 = arith.constant 4 : i32
          %add3A_162 = arith.addi %mul3A_77, %add3A_161 : i32
          %dma_start3A_163 = arith.constant 0 : i32
          %dma_start3A_164 = arith.constant 0 : i32
          %dma_start3A_165 = tpu.memref_slice %arg6[%dma_start3A_163, %add3A_162, %dma_start3A_164] : memref<2x25x80xi32, #tpu.memory_space<vmem>> -> memref<1x1x80xi32, #tpu.memory_space<vmem>>
          %dma_start3A_166 = tpu.memref_squeeze %dma_start3A_165 : memref<1x1x80xi32, #tpu.memory_space<vmem>> -> memref<80xi32, #tpu.memory_space<vmem>>
          %dma_start3A_167 = arith.constant 0 : i32
          %dma_start3A_168 = arith.constant 0 : i32
          %dma_start3A_169 = tpu.memref_slice %arg2[%dma_start3A_167, %dma_start3A_168] : memref<10000x128xf32, #tpu.memory_space<hbm>> -> memref<10000x128xf32, #tpu.memory_space<hbm>>
          tpu.enqueue_indirect_dma source(%dma_start3A_169 : memref<10000x128xf32, #tpu.memory_space<hbm>>) target(%arg8 : memref<80x128xf32, #tpu.memory_space<vmem>>) offsets(%dma_start3A_166 : memref<80xi32, #tpu.memory_space<vmem>>) semaphore(%arg12 : memref<!tpu.dma_semaphore, #tpu.memory_space<semaphore_mem>>)
        } else {
        }
      }
      %scan3A_45 = arith.constant 8 : i32
      %dma_wait3A = arith.constant 0 : i32
      %dma_wait3A_46 = arith.constant 0 : i32
      %dma_wait3A_47 = tpu.memref_slice %arg2[%dma_wait3A, %dma_wait3A_46] : memref<10000x128xf32, #tpu.memory_space<hbm>> -> memref<80x128xf32, #tpu.memory_space<hbm>>
      %dma_wait3A_48 = arith.constant 0 : i32
      %dma_wait3A_49 = arith.constant 0 : i32
      %dma_wait3A_50 = tpu.memref_slice %arg2[%dma_wait3A_48, %dma_wait3A_49] : memref<10000x128xf32, #tpu.memory_space<hbm>> -> memref<80x128xf32, #tpu.memory_space<hbm>>
      tpu.wait_dma2 semaphore(%arg11 : memref<!tpu.dma_semaphore, #tpu.memory_space<semaphore_mem>>) src(%dma_wait3A_50 : memref<80x128xf32, #tpu.memory_space<hbm>>) dst(%arg7 : memref<80x128xf32, #tpu.memory_space<vmem>>)
      %dma_start3A_51 = arith.constant 1 : i32
      %dma_start3A_52 = arith.constant 24 : i32
      %dma_start3A_53 = arith.constant 0 : i32
      %dma_start3A_54 = tpu.memref_slice %arg6[%dma_start3A_51, %dma_start3A_52, %dma_start3A_53] : memref<2x25x80xi32, #tpu.memory_space<vmem>> -> memref<1x1x80xi32, #tpu.memory_space<vmem>>
      %dma_start3A_55 = tpu.memref_squeeze %dma_start3A_54 : memref<1x1x80xi32, #tpu.memory_space<vmem>> -> memref<80xi32, #tpu.memory_space<vmem>>
      %dma_start3A_56 = arith.constant 0 : i32
      %dma_start3A_57 = arith.constant 0 : i32
      %dma_start3A_58 = tpu.memref_slice %arg10[%dma_start3A_56, %dma_start3A_57] : memref<10240x128xf32, #tpu.memory_space<vmem_shared>> -> memref<10240x128xf32, #tpu.memory_space<vmem_shared>>
      tpu.enqueue_indirect_dma source(%arg7 : memref<80x128xf32, #tpu.memory_space<vmem>>) target(%dma_start3A_58 : memref<10240x128xf32, #tpu.memory_space<vmem_shared>>) offsets(%dma_start3A_55 : memref<80xi32, #tpu.memory_space<vmem>>) semaphore(%arg14 : memref<!tpu.dma_semaphore, #tpu.memory_space<semaphore_mem>>) {add = true}
      %dma_wait3A_59 = arith.constant 1 : i32
      %dma_wait3A_60 = arith.constant 23 : i32
      %dma_wait3A_61 = arith.constant 0 : i32
      %dma_wait3A_62 = tpu.memref_slice %arg6[%dma_wait3A_59, %dma_wait3A_60, %dma_wait3A_61] : memref<2x25x80xi32, #tpu.memory_space<vmem>> -> memref<1x1x80xi32, #tpu.memory_space<vmem>>
      %dma_wait3A_63 = tpu.memref_squeeze %dma_wait3A_62 : memref<1x1x80xi32, #tpu.memory_space<vmem>> -> memref<80xi32, #tpu.memory_space<vmem>>
      %dma_wait3A_64 = arith.constant 0 : i32
      %dma_wait3A_65 = arith.constant 0 : i32
      %dma_wait3A_66 = tpu.memref_slice %arg10[%dma_wait3A_64, %dma_wait3A_65] : memref<10240x128xf32, #tpu.memory_space<vmem_shared>> -> memref<10240x128xf32, #tpu.memory_space<vmem_shared>>
      tpu.wait_indirect_dma semaphore(%arg16 : memref<!tpu.dma_semaphore, #tpu.memory_space<semaphore_mem>>) src(%arg9 : memref<80x128xf32, #tpu.memory_space<vmem>>) dst(%dma_wait3A_66 : memref<10240x128xf32, #tpu.memory_space<vmem_shared>>)
      %dma_wait3A_67 = arith.constant 1 : i32
      %dma_wait3A_68 = arith.constant 24 : i32
      %dma_wait3A_69 = arith.constant 0 : i32
      %dma_wait3A_70 = tpu.memref_slice %arg6[%dma_wait3A_67, %dma_wait3A_68, %dma_wait3A_69] : memref<2x25x80xi32, #tpu.memory_space<vmem>> -> memref<1x1x80xi32, #tpu.memory_space<vmem>>
      %dma_wait3A_71 = tpu.memref_squeeze %dma_wait3A_70 : memref<1x1x80xi32, #tpu.memory_space<vmem>> -> memref<80xi32, #tpu.memory_space<vmem>>
      %dma_wait3A_72 = arith.constant 0 : i32
      %dma_wait3A_73 = arith.constant 0 : i32
      %dma_wait3A_74 = tpu.memref_slice %arg10[%dma_wait3A_72, %dma_wait3A_73] : memref<10240x128xf32, #tpu.memory_space<vmem_shared>> -> memref<10240x128xf32, #tpu.memory_space<vmem_shared>>
      tpu.wait_indirect_dma semaphore(%arg14 : memref<!tpu.dma_semaphore, #tpu.memory_space<semaphore_mem>>) src(%arg7 : memref<80x128xf32, #tpu.memory_space<vmem>>) dst(%dma_wait3A_74 : memref<10240x128xf32, #tpu.memory_space<vmem_shared>>)
    }
    %scan3A_17 = arith.constant 5 : i32
    %barrier3A_18 = arith.constant 0 : index
    tpu.barrier barrier_id(%barrier3A_18)
    %mul3A_19 = arith.constant 640 : i32
    %mul3A_20 = arith.muli %arg1, %mul3A_19 : i32
    %mul3A_21 = arith.constant 640 : i32
    %mul3A_22 = arith.muli %arg1, %mul3A_21 : i32
    "tpu.region"() ({
      %run_scoped3A = tpu.sem_alloc : memref<!tpu.dma_semaphore, #tpu.memory_space<semaphore_mem>>
      %dma_start3A = arith.constant 0 : i32
      %dma_start3A_23 = tpu.memref_slice %arg5[%arg0, %mul3A_22, %dma_start3A] : memref<2x10240x128xf32, #tpu.memory_space<hbm>> -> memref<1x640x128xf32, #tpu.memory_space<hbm>>
      %dma_start3A_24 = tpu.memref_squeeze %dma_start3A_23 : memref<1x640x128xf32, #tpu.memory_space<hbm>> -> memref<640x128xf32, #tpu.memory_space<hbm>>
      %dma_start3A_25 = arith.constant 0 : i32
      %dma_start3A_26 = tpu.memref_slice %arg10[%mul3A_20, %dma_start3A_25] : memref<10240x128xf32, #tpu.memory_space<vmem_shared>> -> memref<640x128xf32, #tpu.memory_space<vmem_shared>>
      tpu.enqueue_dma source(%dma_start3A_26 : memref<640x128xf32, #tpu.memory_space<vmem_shared>>) target(%dma_start3A_24 : memref<640x128xf32, #tpu.memory_space<hbm>>) target_semaphore(%run_scoped3A : memref<!tpu.dma_semaphore, #tpu.memory_space<semaphore_mem>>)
      %dma_wait3A = arith.constant 0 : i32
      %dma_wait3A_27 = tpu.memref_slice %arg5[%arg0, %mul3A_22, %dma_wait3A] : memref<2x10240x128xf32, #tpu.memory_space<hbm>> -> memref<1x640x128xf32, #tpu.memory_space<hbm>>
      %dma_wait3A_28 = tpu.memref_squeeze %dma_wait3A_27 : memref<1x640x128xf32, #tpu.memory_space<hbm>> -> memref<640x128xf32, #tpu.memory_space<hbm>>
      %dma_wait3A_29 = arith.constant 0 : i32
      %dma_wait3A_30 = tpu.memref_slice %arg10[%mul3A_20, %dma_wait3A_29] : memref<10240x128xf32, #tpu.memory_space<vmem_shared>> -> memref<640x128xf32, #tpu.memory_space<vmem_shared>>
      tpu.wait_dma2 semaphore(%run_scoped3A : memref<!tpu.dma_semaphore, #tpu.memory_space<semaphore_mem>>) src(%dma_wait3A_30 : memref<640x128xf32, #tpu.memory_space<vmem_shared>>) dst(%dma_wait3A_28 : memref<640x128xf32, #tpu.memory_space<hbm>>)
      tpu.yield
    }) : () -> ()
    return
  }
}

#map = affine_map<(d0, d1) -> (0, 0)>
#map1 = affine_map<(d0, d1) -> (0, 0, 0, 0)>
#map2 = affine_map<(d0, d1) -> (0, 0, 0)>
module attributes {stable_mosaic.version = 14 : i64} {
  func.func @_prop_body(%arg0: i32, %arg1: i32, %arg2: memref<10000x64xf32, #tpu.memory_space<hbm>>, %arg3: memref<32x5x25x80xi32, #tpu.memory_space<hbm>>, %arg4: memref<32x5x25x80xi32, #tpu.memory_space<hbm>>, %arg5: memref<2x10240x64xf32, #tpu.memory_space<hbm>>, %arg6: memref<2x25x80xi32, #tpu.memory_space<vmem>>, %arg7: memref<80x64xf32, #tpu.memory_space<vmem>>, %arg8: memref<80x64xf32, #tpu.memory_space<vmem>>, %arg9: memref<80x64xf32, #tpu.memory_space<vmem>>, %arg10: memref<10240x64xf32, #tpu.memory_space<vmem_shared>>, %arg11: memref<!tpu.dma_semaphore, #tpu.memory_space<semaphore_mem>>, %arg12: memref<!tpu.dma_semaphore, #tpu.memory_space<semaphore_mem>>, %arg13: memref<!tpu.dma_semaphore, #tpu.memory_space<semaphore_mem>>, %arg14: memref<!tpu.dma_semaphore, #tpu.memory_space<semaphore_mem>>, %arg15: memref<!tpu.dma_semaphore, #tpu.memory_space<semaphore_mem>>, %arg16: memref<!tpu.dma_semaphore, #tpu.memory_space<semaphore_mem>>) attributes {dimension_semantics = [#tpu.dimension_semantics<core_parallel>, #tpu.dimension_semantics<subcore_parallel>], iteration_bounds = array<i64: 2, 16>, scalar_prefetch = 0 : i64, scratch_operands = 11 : i64, tpu.core_type = #tpu.core_type<sc_vector_subcore>, window_params = [{transform_indices = #map}, {transform_indices = #map1}, {transform_indices = #map1}, {transform_indices = #map2}]} {
    %mul3A = arith.constant 16 : i32
    %mul3A_0 = arith.muli %arg0, %mul3A : i32
    %add3A = arith.addi %mul3A_0, %arg1 : i32
    %scan3A = arith.constant 0 : i32
    %scan3A_1 = arith.constant 0 : i32
    %scan3A_2 = arith.constant 320 : i32
    %scan3A_3 = arith.addi %scan3A_1, %scan3A_2 : i32
    %scan3A_4 = arith.constant 1 : i32
    scf.for %scan3A_23 = %scan3A_1 to %scan3A_3 step %scan3A_4  : i32 {
      %broadcast_in_dim3A = arith.constant 0.000000e+00 : f32
      %broadcast_in_dim3A_24 = vector.broadcast %broadcast_in_dim3A : f32 to vector<16xf32>
      %jit3A = arith.constant 4 : i32
      %div3A = arith.divsi %scan3A_23, %jit3A : i32
      %sign3A = arith.constant 0 : i32
      %sign3A_25 = arith.cmpi sgt, %scan3A_23, %sign3A : i32
      %sign3A_26 = arith.extui %sign3A_25 : i1 to i32
      %sign3A_27 = arith.constant 0 : i32
      %sign3A_28 = arith.cmpi slt, %scan3A_23, %sign3A_27 : i32
      %sign3A_29 = arith.extui %sign3A_28 : i1 to i32
      %sign3A_30 = arith.subi %sign3A_26, %sign3A_29 : i32
      %sign3A_31 = arith.constant 0 : i32
      %sign3A_32 = arith.cmpi sgt, %jit3A, %sign3A_31 : i32
      %sign3A_33 = arith.extui %sign3A_32 : i1 to i32
      %sign3A_34 = arith.constant 0 : i32
      %sign3A_35 = arith.cmpi slt, %jit3A, %sign3A_34 : i32
      %sign3A_36 = arith.extui %sign3A_35 : i1 to i32
      %sign3A_37 = arith.subi %sign3A_33, %sign3A_36 : i32
      %ne3A = arith.cmpi ne, %sign3A_30, %sign3A_37 : i32
      %rem3A = arith.remsi %scan3A_23, %jit3A : i32
      %ne3A_38 = arith.constant 0 : i32
      %ne3A_39 = arith.cmpi ne, %rem3A, %ne3A_38 : i32
      %and3A = arith.andi %ne3A, %ne3A_39 : i1
      %sub3A = arith.constant 1 : i32
      %sub3A_40 = arith.subi %div3A, %sub3A : i32
      %select_n3A = arith.select %and3A, %sub3A_40, %div3A : i32
      %jit3A_41 = arith.constant 4 : i32
      %eq3A = arith.constant 0 : i32
      %eq3A_42 = arith.cmpi eq, %jit3A_41, %eq3A : i32
      %jit3A_43 = arith.constant 1 : i32
      %select_n3A_44 = arith.select %eq3A_42, %jit3A_43, %jit3A_41 : i32
      %rem3A_45 = arith.remsi %scan3A_23, %select_n3A_44 : i32
      %ne3A_46 = arith.constant 0 : i32
      %ne3A_47 = arith.cmpi ne, %rem3A_45, %ne3A_46 : i32
      %lt3A = arith.constant 0 : i32
      %lt3A_48 = arith.cmpi slt, %rem3A_45, %lt3A : i32
      %lt3A_49 = arith.constant 0 : i32
      %lt3A_50 = arith.cmpi slt, %select_n3A_44, %lt3A_49 : i32
      %ne3A_51 = arith.xori %lt3A_48, %lt3A_50 : i1
      %and3A_52 = arith.andi %ne3A_51, %ne3A_47 : i1
      %add3A_53 = arith.addi %rem3A_45, %select_n3A_44 : i32
      %select_n3A_54 = arith.select %and3A_52, %add3A_53, %rem3A_45 : i32
      %mul3A_55 = arith.constant 16 : i32
      %mul3A_56 = arith.muli %select_n3A_54, %mul3A_55 : i32
      %swap3A = arith.index_cast %select_n3A : i32 to index
      %swap3A_57 = arith.index_cast %mul3A_56 : i32 to index
      %swap3A_58 = tpu.vector_load %arg7[%swap3A, %swap3A_57] {strides = array<i32>} : memref<80x64xf32, #tpu.memory_space<vmem>>, vector<1x16xf32>,
      %swap3A_59 = vector.shape_cast %swap3A_58 : vector<1x16xf32> to vector<16xf32>
      %swap3A_60 = vector.shape_cast %broadcast_in_dim3A_24 : vector<16xf32> to vector<1x16xf32>
      tpu.vector_store %arg7[%swap3A, %swap3A_57], %swap3A_60 {strides = array<i32>} : memref<80x64xf32, #tpu.memory_space<vmem>>, vector<1x16xf32>,
    }
    %scan3A_5 = arith.constant 320 : i32
    %scan3A_6 = arith.constant 0 : i32
    %scan3A_7 = arith.constant 0 : i32
    %scan3A_8 = arith.constant 8 : i32
    %scan3A_9 = arith.addi %scan3A_7, %scan3A_8 : i32
    %scan3A_10 = arith.constant 1 : i32
    scf.for %scan3A_23 = %scan3A_7 to %scan3A_9 step %scan3A_10  : i32 {
      %mul3A_24 = arith.constant 640 : i32
      %mul3A_25 = arith.muli %arg1, %mul3A_24 : i32
      %mul3A_26 = arith.constant 80 : i32
      %mul3A_27 = arith.muli %scan3A_23, %mul3A_26 : i32
      %add3A_28 = arith.addi %mul3A_25, %mul3A_27 : i32
      "tpu.region"() ({
        %run_scoped3A = tpu.sem_alloc : memref<!tpu.dma_semaphore, #tpu.memory_space<semaphore_mem>>
        %dma_start3A = arith.constant 0 : i32
        %dma_start3A_29 = tpu.memref_slice %arg10[%add3A_28, %dma_start3A] : memref<10240x64xf32, #tpu.memory_space<vmem_shared>> -> memref<80x64xf32, #tpu.memory_space<vmem_shared>>
        %dma_start3A_30 = arith.constant 0 : i32
        %dma_start3A_31 = tpu.memref_slice %arg10[%add3A_28, %dma_start3A_30] : memref<10240x64xf32, #tpu.memory_space<vmem_shared>> -> memref<80x64xf32, #tpu.memory_space<vmem_shared>>
        tpu.enqueue_dma source(%arg7 : memref<80x64xf32, #tpu.memory_space<vmem>>) target(%dma_start3A_31 : memref<80x64xf32, #tpu.memory_space<vmem_shared>>) target_semaphore(%run_scoped3A : memref<!tpu.dma_semaphore, #tpu.memory_space<semaphore_mem>>)
        %dma_wait3A = arith.constant 0 : i32
        %dma_wait3A_32 = tpu.memref_slice %arg10[%add3A_28, %dma_wait3A] : memref<10240x64xf32, #tpu.memory_space<vmem_shared>> -> memref<80x64xf32, #tpu.memory_space<vmem_shared>>
        %dma_wait3A_33 = arith.constant 0 : i32
        %dma_wait3A_34 = tpu.memref_slice %arg10[%add3A_28, %dma_wait3A_33] : memref<10240x64xf32, #tpu.memory_space<vmem_shared>> -> memref<80x64xf32, #tpu.memory_space<vmem_shared>>
        tpu.wait_dma2 semaphore(%run_scoped3A : memref<!tpu.dma_semaphore, #tpu.memory_space<semaphore_mem>>) src(%arg7 : memref<80x64xf32, #tpu.memory_space<vmem>>) dst(%dma_wait3A_34 : memref<80x64xf32, #tpu.memory_space<vmem_shared>>)
        tpu.yield
      }) : () -> ()
    }
    %scan3A_11 = arith.constant 8 : i32
    %barrier3A = arith.constant 0 : index
    tpu.barrier barrier_id(%barrier3A)
    %scan3A_12 = arith.constant 0 : i32
    %scan3A_13 = arith.constant 0 : i32
    %scan3A_14 = arith.constant 5 : i32
    %scan3A_15 = arith.addi %scan3A_13, %scan3A_14 : i32
    %scan3A_16 = arith.constant 1 : i32
    scf.for %scan3A_23 = %scan3A_13 to %scan3A_15 step %scan3A_16  : i32 {
      %run_scoped3A = arith.constant 0 : i32
      "tpu.region"() ({
        %run_scoped3A_75 = tpu.sem_alloc : memref<!tpu.dma_semaphore, #tpu.memory_space<semaphore_mem>>
        %dma_start3A_76 = arith.constant 0 : i32
        %dma_start3A_77 = arith.constant 0 : i32
        %dma_start3A_78 = tpu.memref_slice %arg6[%run_scoped3A, %dma_start3A_76, %dma_start3A_77] : memref<2x25x80xi32, #tpu.memory_space<vmem>> -> memref<1x25x80xi32, #tpu.memory_space<vmem>>
        %dma_start3A_79 = tpu.memref_squeeze %dma_start3A_78 : memref<1x25x80xi32, #tpu.memory_space<vmem>> -> memref<25x80xi32, #tpu.memory_space<vmem>>
        %dma_start3A_80 = arith.constant 0 : i32
        %dma_start3A_81 = arith.constant 0 : i32
        %dma_start3A_82 = tpu.memref_slice %arg3[%add3A, %scan3A_23, %dma_start3A_80, %dma_start3A_81] : memref<32x5x25x80xi32, #tpu.memory_space<hbm>> -> memref<1x1x25x80xi32, #tpu.memory_space<hbm>>
        %dma_start3A_83 = tpu.memref_squeeze %dma_start3A_82 : memref<1x1x25x80xi32, #tpu.memory_space<hbm>> -> memref<25x80xi32, #tpu.memory_space<hbm>>
        %dma_start3A_84 = arith.constant 0 : i32
        %dma_start3A_85 = arith.constant 0 : i32
        %dma_start3A_86 = tpu.memref_slice %arg6[%run_scoped3A, %dma_start3A_84, %dma_start3A_85] : memref<2x25x80xi32, #tpu.memory_space<vmem>> -> memref<1x25x80xi32, #tpu.memory_space<vmem>>
        %dma_start3A_87 = tpu.memref_squeeze %dma_start3A_86 : memref<1x25x80xi32, #tpu.memory_space<vmem>> -> memref<25x80xi32, #tpu.memory_space<vmem>>
        %dma_start3A_88 = arith.constant 0 : i32
        %dma_start3A_89 = arith.constant 0 : i32
        %dma_start3A_90 = tpu.memref_slice %arg3[%add3A, %scan3A_23, %dma_start3A_88, %dma_start3A_89] : memref<32x5x25x80xi32, #tpu.memory_space<hbm>> -> memref<1x1x25x80xi32, #tpu.memory_space<hbm>>
        %dma_start3A_91 = tpu.memref_squeeze %dma_start3A_90 : memref<1x1x25x80xi32, #tpu.memory_space<hbm>> -> memref<25x80xi32, #tpu.memory_space<hbm>>
        tpu.enqueue_dma source(%dma_start3A_91 : memref<25x80xi32, #tpu.memory_space<hbm>>) target(%dma_start3A_87 : memref<25x80xi32, #tpu.memory_space<vmem>>) target_semaphore(%run_scoped3A_75 : memref<!tpu.dma_semaphore, #tpu.memory_space<semaphore_mem>>)
        %dma_wait3A_92 = arith.constant 0 : i32
        %dma_wait3A_93 = arith.constant 0 : i32
        %dma_wait3A_94 = tpu.memref_slice %arg6[%run_scoped3A, %dma_wait3A_92, %dma_wait3A_93] : memref<2x25x80xi32, #tpu.memory_space<vmem>> -> memref<1x25x80xi32, #tpu.memory_space<vmem>>
        %dma_wait3A_95 = tpu.memref_squeeze %dma_wait3A_94 : memref<1x25x80xi32, #tpu.memory_space<vmem>> -> memref<25x80xi32, #tpu.memory_space<vmem>>
        %dma_wait3A_96 = arith.constant 0 : i32
        %dma_wait3A_97 = arith.constant 0 : i32
        %dma_wait3A_98 = tpu.memref_slice %arg3[%add3A, %scan3A_23, %dma_wait3A_96, %dma_wait3A_97] : memref<32x5x25x80xi32, #tpu.memory_space<hbm>> -> memref<1x1x25x80xi32, #tpu.memory_space<hbm>>
        %dma_wait3A_99 = tpu.memref_squeeze %dma_wait3A_98 : memref<1x1x25x80xi32, #tpu.memory_space<hbm>> -> memref<25x80xi32, #tpu.memory_space<hbm>>
        %dma_wait3A_100 = arith.constant 0 : i32
        %dma_wait3A_101 = arith.constant 0 : i32
        %dma_wait3A_102 = tpu.memref_slice %arg6[%run_scoped3A, %dma_wait3A_100, %dma_wait3A_101] : memref<2x25x80xi32, #tpu.memory_space<vmem>> -> memref<1x25x80xi32, #tpu.memory_space<vmem>>
        %dma_wait3A_103 = tpu.memref_squeeze %dma_wait3A_102 : memref<1x25x80xi32, #tpu.memory_space<vmem>> -> memref<25x80xi32, #tpu.memory_space<vmem>>
        %dma_wait3A_104 = arith.constant 0 : i32
        %dma_wait3A_105 = arith.constant 0 : i32
        %dma_wait3A_106 = tpu.memref_slice %arg3[%add3A, %scan3A_23, %dma_wait3A_104, %dma_wait3A_105] : memref<32x5x25x80xi32, #tpu.memory_space<hbm>> -> memref<1x1x25x80xi32, #tpu.memory_space<hbm>>
        %dma_wait3A_107 = tpu.memref_squeeze %dma_wait3A_106 : memref<1x1x25x80xi32, #tpu.memory_space<hbm>> -> memref<25x80xi32, #tpu.memory_space<hbm>>
        tpu.wait_dma2 semaphore(%run_scoped3A_75 : memref<!tpu.dma_semaphore, #tpu.memory_space<semaphore_mem>>) src(%dma_wait3A_107 : memref<25x80xi32, #tpu.memory_space<hbm>>) dst(%dma_wait3A_103 : memref<25x80xi32, #tpu.memory_space<vmem>>)
        tpu.yield
      }) : () -> ()
      %run_scoped3A_24 = arith.constant 1 : i32
      "tpu.region"() ({
        %run_scoped3A_75 = tpu.sem_alloc : memref<!tpu.dma_semaphore, #tpu.memory_space<semaphore_mem>>
        %dma_start3A_76 = arith.constant 0 : i32
        %dma_start3A_77 = arith.constant 0 : i32
        %dma_start3A_78 = tpu.memref_slice %arg6[%run_scoped3A_24, %dma_start3A_76, %dma_start3A_77] : memref<2x25x80xi32, #tpu.memory_space<vmem>> -> memref<1x25x80xi32, #tpu.memory_space<vmem>>
        %dma_start3A_79 = tpu.memref_squeeze %dma_start3A_78 : memref<1x25x80xi32, #tpu.memory_space<vmem>> -> memref<25x80xi32, #tpu.memory_space<vmem>>
        %dma_start3A_80 = arith.constant 0 : i32
        %dma_start3A_81 = arith.constant 0 : i32
        %dma_start3A_82 = tpu.memref_slice %arg4[%add3A, %scan3A_23, %dma_start3A_80, %dma_start3A_81] : memref<32x5x25x80xi32, #tpu.memory_space<hbm>> -> memref<1x1x25x80xi32, #tpu.memory_space<hbm>>
        %dma_start3A_83 = tpu.memref_squeeze %dma_start3A_82 : memref<1x1x25x80xi32, #tpu.memory_space<hbm>> -> memref<25x80xi32, #tpu.memory_space<hbm>>
        %dma_start3A_84 = arith.constant 0 : i32
        %dma_start3A_85 = arith.constant 0 : i32
        %dma_start3A_86 = tpu.memref_slice %arg6[%run_scoped3A_24, %dma_start3A_84, %dma_start3A_85] : memref<2x25x80xi32, #tpu.memory_space<vmem>> -> memref<1x25x80xi32, #tpu.memory_space<vmem>>
        %dma_start3A_87 = tpu.memref_squeeze %dma_start3A_86 : memref<1x25x80xi32, #tpu.memory_space<vmem>> -> memref<25x80xi32, #tpu.memory_space<vmem>>
        %dma_start3A_88 = arith.constant 0 : i32
        %dma_start3A_89 = arith.constant 0 : i32
        %dma_start3A_90 = tpu.memref_slice %arg4[%add3A, %scan3A_23, %dma_start3A_88, %dma_start3A_89] : memref<32x5x25x80xi32, #tpu.memory_space<hbm>> -> memref<1x1x25x80xi32, #tpu.memory_space<hbm>>
        %dma_start3A_91 = tpu.memref_squeeze %dma_start3A_90 : memref<1x1x25x80xi32, #tpu.memory_space<hbm>> -> memref<25x80xi32, #tpu.memory_space<hbm>>
        tpu.enqueue_dma source(%dma_start3A_91 : memref<25x80xi32, #tpu.memory_space<hbm>>) target(%dma_start3A_87 : memref<25x80xi32, #tpu.memory_space<vmem>>) target_semaphore(%run_scoped3A_75 : memref<!tpu.dma_semaphore, #tpu.memory_space<semaphore_mem>>)
        %dma_wait3A_92 = arith.constant 0 : i32
        %dma_wait3A_93 = arith.constant 0 : i32
        %dma_wait3A_94 = tpu.memref_slice %arg6[%run_scoped3A_24, %dma_wait3A_92, %dma_wait3A_93] : memref<2x25x80xi32, #tpu.memory_space<vmem>> -> memref<1x25x80xi32, #tpu.memory_space<vmem>>
        %dma_wait3A_95 = tpu.memref_squeeze %dma_wait3A_94 : memref<1x25x80xi32, #tpu.memory_space<vmem>> -> memref<25x80xi32, #tpu.memory_space<vmem>>
        %dma_wait3A_96 = arith.constant 0 : i32
        %dma_wait3A_97 = arith.constant 0 : i32
        %dma_wait3A_98 = tpu.memref_slice %arg4[%add3A, %scan3A_23, %dma_wait3A_96, %dma_wait3A_97] : memref<32x5x25x80xi32, #tpu.memory_space<hbm>> -> memref<1x1x25x80xi32, #tpu.memory_space<hbm>>
        %dma_wait3A_99 = tpu.memref_squeeze %dma_wait3A_98 : memref<1x1x25x80xi32, #tpu.memory_space<hbm>> -> memref<25x80xi32, #tpu.memory_space<hbm>>
        %dma_wait3A_100 = arith.constant 0 : i32
        %dma_wait3A_101 = arith.constant 0 : i32
        %dma_wait3A_102 = tpu.memref_slice %arg6[%run_scoped3A_24, %dma_wait3A_100, %dma_wait3A_101] : memref<2x25x80xi32, #tpu.memory_space<vmem>> -> memref<1x25x80xi32, #tpu.memory_space<vmem>>
        %dma_wait3A_103 = tpu.memref_squeeze %dma_wait3A_102 : memref<1x25x80xi32, #tpu.memory_space<vmem>> -> memref<25x80xi32, #tpu.memory_space<vmem>>
        %dma_wait3A_104 = arith.constant 0 : i32
        %dma_wait3A_105 = arith.constant 0 : i32
        %dma_wait3A_106 = tpu.memref_slice %arg4[%add3A, %scan3A_23, %dma_wait3A_104, %dma_wait3A_105] : memref<32x5x25x80xi32, #tpu.memory_space<hbm>> -> memref<1x1x25x80xi32, #tpu.memory_space<hbm>>
        %dma_wait3A_107 = tpu.memref_squeeze %dma_wait3A_106 : memref<1x1x25x80xi32, #tpu.memory_space<hbm>> -> memref<25x80xi32, #tpu.memory_space<hbm>>
        tpu.wait_dma2 semaphore(%run_scoped3A_75 : memref<!tpu.dma_semaphore, #tpu.memory_space<semaphore_mem>>) src(%dma_wait3A_107 : memref<25x80xi32, #tpu.memory_space<hbm>>) dst(%dma_wait3A_103 : memref<25x80xi32, #tpu.memory_space<vmem>>)
        tpu.yield
      }) : () -> ()
      %dma_start3A = arith.constant 0 : i32
      %dma_start3A_25 = arith.constant 0 : i32
      %dma_start3A_26 = arith.constant 0 : i32
      %dma_start3A_27 = tpu.memref_slice %arg6[%dma_start3A, %dma_start3A_25, %dma_start3A_26] : memref<2x25x80xi32, #tpu.memory_space<vmem>> -> memref<1x1x80xi32, #tpu.memory_space<vmem>>
      %dma_start3A_28 = tpu.memref_squeeze %dma_start3A_27 : memref<1x1x80xi32, #tpu.memory_space<vmem>> -> memref<80xi32, #tpu.memory_space<vmem>>
      %dma_start3A_29 = arith.constant 0 : i32
      %dma_start3A_30 = arith.constant 0 : i32
      %dma_start3A_31 = tpu.memref_slice %arg2[%dma_start3A_29, %dma_start3A_30] : memref<10000x64xf32, #tpu.memory_space<hbm>> -> memref<10000x64xf32, #tpu.memory_space<hbm>>
      tpu.enqueue_indirect_dma source(%dma_start3A_31 : memref<10000x64xf32, #tpu.memory_space<hbm>>) target(%arg7 : memref<80x64xf32, #tpu.memory_space<vmem>>) offsets(%dma_start3A_28 : memref<80xi32, #tpu.memory_space<vmem>>) semaphore(%arg11 : memref<!tpu.dma_semaphore, #tpu.memory_space<semaphore_mem>>)
      %dma_start3A_32 = arith.constant 0 : i32
      %dma_start3A_33 = arith.constant 1 : i32
      %dma_start3A_34 = arith.constant 0 : i32
      %dma_start3A_35 = tpu.memref_slice %arg6[%dma_start3A_32, %dma_start3A_33, %dma_start3A_34] : memref<2x25x80xi32, #tpu.memory_space<vmem>> -> memref<1x1x80xi32, #tpu.memory_space<vmem>>
      %dma_start3A_36 = tpu.memref_squeeze %dma_start3A_35 : memref<1x1x80xi32, #tpu.memory_space<vmem>> -> memref<80xi32, #tpu.memory_space<vmem>>
      %dma_start3A_37 = arith.constant 0 : i32
      %dma_start3A_38 = arith.constant 0 : i32
      %dma_start3A_39 = tpu.memref_slice %arg2[%dma_start3A_37, %dma_start3A_38] : memref<10000x64xf32, #tpu.memory_space<hbm>> -> memref<10000x64xf32, #tpu.memory_space<hbm>>
      tpu.enqueue_indirect_dma source(%dma_start3A_39 : memref<10000x64xf32, #tpu.memory_space<hbm>>) target(%arg8 : memref<80x64xf32, #tpu.memory_space<vmem>>) offsets(%dma_start3A_36 : memref<80xi32, #tpu.memory_space<vmem>>) semaphore(%arg12 : memref<!tpu.dma_semaphore, #tpu.memory_space<semaphore_mem>>)
      %scan3A_40 = arith.constant 0 : i32
      %scan3A_41 = arith.constant 0 : i32
      %scan3A_42 = arith.constant 8 : i32
      %scan3A_43 = arith.addi %scan3A_41, %scan3A_42 : i32
      %scan3A_44 = arith.constant 1 : i32
      scf.for %scan3A_75 = %scan3A_41 to %scan3A_43 step %scan3A_44  : i32 {
        %mul3A_76 = arith.constant 3 : i32
        %mul3A_77 = arith.muli %mul3A_76, %scan3A_75 : i32
        %dma_wait3A_78 = arith.constant 0 : i32
        %dma_wait3A_79 = arith.constant 0 : i32
        %dma_wait3A_80 = tpu.memref_slice %arg2[%dma_wait3A_78, %dma_wait3A_79] : memref<10000x64xf32, #tpu.memory_space<hbm>> -> memref<80x64xf32, #tpu.memory_space<hbm>>
        %dma_wait3A_81 = arith.constant 0 : i32
        %dma_wait3A_82 = arith.constant 0 : i32
        %dma_wait3A_83 = tpu.memref_slice %arg2[%dma_wait3A_81, %dma_wait3A_82] : memref<10000x64xf32, #tpu.memory_space<hbm>> -> memref<80x64xf32, #tpu.memory_space<hbm>>
        tpu.wait_dma2 semaphore(%arg11 : memref<!tpu.dma_semaphore, #tpu.memory_space<semaphore_mem>>) src(%dma_wait3A_83 : memref<80x64xf32, #tpu.memory_space<hbm>>) dst(%arg7 : memref<80x64xf32, #tpu.memory_space<vmem>>)
        %dma_start3A_84 = arith.constant 1 : i32
        %dma_start3A_85 = arith.constant 0 : i32
        %dma_start3A_86 = tpu.memref_slice %arg6[%dma_start3A_84, %mul3A_77, %dma_start3A_85] : memref<2x25x80xi32, #tpu.memory_space<vmem>> -> memref<1x1x80xi32, #tpu.memory_space<vmem>>
        %dma_start3A_87 = tpu.memref_squeeze %dma_start3A_86 : memref<1x1x80xi32, #tpu.memory_space<vmem>> -> memref<80xi32, #tpu.memory_space<vmem>>
        %dma_start3A_88 = arith.constant 0 : i32
        %dma_start3A_89 = arith.constant 0 : i32
        %dma_start3A_90 = tpu.memref_slice %arg10[%dma_start3A_88, %dma_start3A_89] : memref<10240x64xf32, #tpu.memory_space<vmem_shared>> -> memref<10240x64xf32, #tpu.memory_space<vmem_shared>>
        tpu.enqueue_indirect_dma source(%arg7 : memref<80x64xf32, #tpu.memory_space<vmem>>) target(%dma_start3A_90 : memref<10240x64xf32, #tpu.memory_space<vmem_shared>>) offsets(%dma_start3A_87 : memref<80xi32, #tpu.memory_space<vmem>>) semaphore(%arg14 : memref<!tpu.dma_semaphore, #tpu.memory_space<semaphore_mem>>) {add = true}
        %gt3A = arith.constant 0 : i32
        %gt3A_91 = arith.cmpi sgt, %scan3A_75, %gt3A : i32
        %convert_element_type3A = arith.extui %gt3A_91 : i1 to i32
        %cond3A = arith.constant 0 : i32
        %cond3A_92 = arith.cmpi ne, %convert_element_type3A, %cond3A : i32
        scf.if %cond3A_92 {
          %sub3A = arith.constant 1 : i32
          %sub3A_161 = arith.subi %mul3A_77, %sub3A : i32
          %dma_wait3A_162 = arith.constant 1 : i32
          %dma_wait3A_163 = arith.constant 0 : i32
          %dma_wait3A_164 = tpu.memref_slice %arg6[%dma_wait3A_162, %sub3A_161, %dma_wait3A_163] : memref<2x25x80xi32, #tpu.memory_space<vmem>> -> memref<1x1x80xi32, #tpu.memory_space<vmem>>
          %dma_wait3A_165 = tpu.memref_squeeze %dma_wait3A_164 : memref<1x1x80xi32, #tpu.memory_space<vmem>> -> memref<80xi32, #tpu.memory_space<vmem>>
          %dma_wait3A_166 = arith.constant 0 : i32
          %dma_wait3A_167 = arith.constant 0 : i32
          %dma_wait3A_168 = tpu.memref_slice %arg10[%dma_wait3A_166, %dma_wait3A_167] : memref<10240x64xf32, #tpu.memory_space<vmem_shared>> -> memref<10240x64xf32, #tpu.memory_space<vmem_shared>>
          tpu.wait_indirect_dma semaphore(%arg16 : memref<!tpu.dma_semaphore, #tpu.memory_space<semaphore_mem>>) src(%arg9 : memref<80x64xf32, #tpu.memory_space<vmem>>) dst(%dma_wait3A_168 : memref<10240x64xf32, #tpu.memory_space<vmem_shared>>)
        } else {
        }
        %add3A_93 = arith.constant 2 : i32
        %add3A_94 = arith.addi %mul3A_77, %add3A_93 : i32
        %dma_start3A_95 = arith.constant 0 : i32
        %dma_start3A_96 = arith.constant 0 : i32
        %dma_start3A_97 = tpu.memref_slice %arg6[%dma_start3A_95, %add3A_94, %dma_start3A_96] : memref<2x25x80xi32, #tpu.memory_space<vmem>> -> memref<1x1x80xi32, #tpu.memory_space<vmem>>
        %dma_start3A_98 = tpu.memref_squeeze %dma_start3A_97 : memref<1x1x80xi32, #tpu.memory_space<vmem>> -> memref<80xi32, #tpu.memory_space<vmem>>
        %dma_start3A_99 = arith.constant 0 : i32
        %dma_start3A_100 = arith.constant 0 : i32
        %dma_start3A_101 = tpu.memref_slice %arg2[%dma_start3A_99, %dma_start3A_100] : memref<10000x64xf32, #tpu.memory_space<hbm>> -> memref<10000x64xf32, #tpu.memory_space<hbm>>
        tpu.enqueue_indirect_dma source(%dma_start3A_101 : memref<10000x64xf32, #tpu.memory_space<hbm>>) target(%arg9 : memref<80x64xf32, #tpu.memory_space<vmem>>) offsets(%dma_start3A_98 : memref<80xi32, #tpu.memory_space<vmem>>) semaphore(%arg13 : memref<!tpu.dma_semaphore, #tpu.memory_space<semaphore_mem>>)
        %dma_wait3A_102 = arith.constant 0 : i32
        %dma_wait3A_103 = arith.constant 0 : i32
        %dma_wait3A_104 = tpu.memref_slice %arg2[%dma_wait3A_102, %dma_wait3A_103] : memref<10000x64xf32, #tpu.memory_space<hbm>> -> memref<80x64xf32, #tpu.memory_space<hbm>>
        %dma_wait3A_105 = arith.constant 0 : i32
        %dma_wait3A_106 = arith.constant 0 : i32
        %dma_wait3A_107 = tpu.memref_slice %arg2[%dma_wait3A_105, %dma_wait3A_106] : memref<10000x64xf32, #tpu.memory_space<hbm>> -> memref<80x64xf32, #tpu.memory_space<hbm>>
        tpu.wait_dma2 semaphore(%arg12 : memref<!tpu.dma_semaphore, #tpu.memory_space<semaphore_mem>>) src(%dma_wait3A_107 : memref<80x64xf32, #tpu.memory_space<hbm>>) dst(%arg8 : memref<80x64xf32, #tpu.memory_space<vmem>>)
        %add3A_108 = arith.constant 1 : i32
        %add3A_109 = arith.addi %mul3A_77, %add3A_108 : i32
        %dma_start3A_110 = arith.constant 1 : i32
        %dma_start3A_111 = arith.constant 0 : i32
        %dma_start3A_112 = tpu.memref_slice %arg6[%dma_start3A_110, %add3A_109, %dma_start3A_111] : memref<2x25x80xi32, #tpu.memory_space<vmem>> -> memref<1x1x80xi32, #tpu.memory_space<vmem>>
        %dma_start3A_113 = tpu.memref_squeeze %dma_start3A_112 : memref<1x1x80xi32, #tpu.memory_space<vmem>> -> memref<80xi32, #tpu.memory_space<vmem>>
        %dma_start3A_114 = arith.constant 0 : i32
        %dma_start3A_115 = arith.constant 0 : i32
        %dma_start3A_116 = tpu.memref_slice %arg10[%dma_start3A_114, %dma_start3A_115] : memref<10240x64xf32, #tpu.memory_space<vmem_shared>> -> memref<10240x64xf32, #tpu.memory_space<vmem_shared>>
        tpu.enqueue_indirect_dma source(%arg8 : memref<80x64xf32, #tpu.memory_space<vmem>>) target(%dma_start3A_116 : memref<10240x64xf32, #tpu.memory_space<vmem_shared>>) offsets(%dma_start3A_113 : memref<80xi32, #tpu.memory_space<vmem>>) semaphore(%arg15 : memref<!tpu.dma_semaphore, #tpu.memory_space<semaphore_mem>>) {add = true}
        %dma_wait3A_117 = arith.constant 1 : i32
        %dma_wait3A_118 = arith.constant 0 : i32
        %dma_wait3A_119 = tpu.memref_slice %arg6[%dma_wait3A_117, %mul3A_77, %dma_wait3A_118] : memref<2x25x80xi32, #tpu.memory_space<vmem>> -> memref<1x1x80xi32, #tpu.memory_space<vmem>>
        %dma_wait3A_120 = tpu.memref_squeeze %dma_wait3A_119 : memref<1x1x80xi32, #tpu.memory_space<vmem>> -> memref<80xi32, #tpu.memory_space<vmem>>
        %dma_wait3A_121 = arith.constant 0 : i32
        %dma_wait3A_122 = arith.constant 0 : i32
        %dma_wait3A_123 = tpu.memref_slice %arg10[%dma_wait3A_121, %dma_wait3A_122] : memref<10240x64xf32, #tpu.memory_space<vmem_shared>> -> memref<10240x64xf32, #tpu.memory_space<vmem_shared>>
        tpu.wait_indirect_dma semaphore(%arg14 : memref<!tpu.dma_semaphore, #tpu.memory_space<semaphore_mem>>) src(%arg7 : memref<80x64xf32, #tpu.memory_space<vmem>>) dst(%dma_wait3A_123 : memref<10240x64xf32, #tpu.memory_space<vmem_shared>>)
        %add3A_124 = arith.constant 3 : i32
        %add3A_125 = arith.addi %mul3A_77, %add3A_124 : i32
        %dma_start3A_126 = arith.constant 0 : i32
        %dma_start3A_127 = arith.constant 0 : i32
        %dma_start3A_128 = tpu.memref_slice %arg6[%dma_start3A_126, %add3A_125, %dma_start3A_127] : memref<2x25x80xi32, #tpu.memory_space<vmem>> -> memref<1x1x80xi32, #tpu.memory_space<vmem>>
        %dma_start3A_129 = tpu.memref_squeeze %dma_start3A_128 : memref<1x1x80xi32, #tpu.memory_space<vmem>> -> memref<80xi32, #tpu.memory_space<vmem>>
        %dma_start3A_130 = arith.constant 0 : i32
        %dma_start3A_131 = arith.constant 0 : i32
        %dma_start3A_132 = tpu.memref_slice %arg2[%dma_start3A_130, %dma_start3A_131] : memref<10000x64xf32, #tpu.memory_space<hbm>> -> memref<10000x64xf32, #tpu.memory_space<hbm>>
        tpu.enqueue_indirect_dma source(%dma_start3A_132 : memref<10000x64xf32, #tpu.memory_space<hbm>>) target(%arg7 : memref<80x64xf32, #tpu.memory_space<vmem>>) offsets(%dma_start3A_129 : memref<80xi32, #tpu.memory_space<vmem>>) semaphore(%arg11 : memref<!tpu.dma_semaphore, #tpu.memory_space<semaphore_mem>>)
        %dma_wait3A_133 = arith.constant 0 : i32
        %dma_wait3A_134 = arith.constant 0 : i32
        %dma_wait3A_135 = tpu.memref_slice %arg2[%dma_wait3A_133, %dma_wait3A_134] : memref<10000x64xf32, #tpu.memory_space<hbm>> -> memref<80x64xf32, #tpu.memory_space<hbm>>
        %dma_wait3A_136 = arith.constant 0 : i32
        %dma_wait3A_137 = arith.constant 0 : i32
        %dma_wait3A_138 = tpu.memref_slice %arg2[%dma_wait3A_136, %dma_wait3A_137] : memref<10000x64xf32, #tpu.memory_space<hbm>> -> memref<80x64xf32, #tpu.memory_space<hbm>>
        tpu.wait_dma2 semaphore(%arg13 : memref<!tpu.dma_semaphore, #tpu.memory_space<semaphore_mem>>) src(%dma_wait3A_138 : memref<80x64xf32, #tpu.memory_space<hbm>>) dst(%arg9 : memref<80x64xf32, #tpu.memory_space<vmem>>)
        %add3A_139 = arith.constant 2 : i32
        %add3A_140 = arith.addi %mul3A_77, %add3A_139 : i32
        %dma_start3A_141 = arith.constant 1 : i32
        %dma_start3A_142 = arith.constant 0 : i32
        %dma_start3A_143 = tpu.memref_slice %arg6[%dma_start3A_141, %add3A_140, %dma_start3A_142] : memref<2x25x80xi32, #tpu.memory_space<vmem>> -> memref<1x1x80xi32, #tpu.memory_space<vmem>>
        %dma_start3A_144 = tpu.memref_squeeze %dma_start3A_143 : memref<1x1x80xi32, #tpu.memory_space<vmem>> -> memref<80xi32, #tpu.memory_space<vmem>>
        %dma_start3A_145 = arith.constant 0 : i32
        %dma_start3A_146 = arith.constant 0 : i32
        %dma_start3A_147 = tpu.memref_slice %arg10[%dma_start3A_145, %dma_start3A_146] : memref<10240x64xf32, #tpu.memory_space<vmem_shared>> -> memref<10240x64xf32, #tpu.memory_space<vmem_shared>>
        tpu.enqueue_indirect_dma source(%arg9 : memref<80x64xf32, #tpu.memory_space<vmem>>) target(%dma_start3A_147 : memref<10240x64xf32, #tpu.memory_space<vmem_shared>>) offsets(%dma_start3A_144 : memref<80xi32, #tpu.memory_space<vmem>>) semaphore(%arg16 : memref<!tpu.dma_semaphore, #tpu.memory_space<semaphore_mem>>) {add = true}
        %add3A_148 = arith.constant 1 : i32
        %add3A_149 = arith.addi %mul3A_77, %add3A_148 : i32
        %dma_wait3A_150 = arith.constant 1 : i32
        %dma_wait3A_151 = arith.constant 0 : i32
        %dma_wait3A_152 = tpu.memref_slice %arg6[%dma_wait3A_150, %add3A_149, %dma_wait3A_151] : memref<2x25x80xi32, #tpu.memory_space<vmem>> -> memref<1x1x80xi32, #tpu.memory_space<vmem>>
        %dma_wait3A_153 = tpu.memref_squeeze %dma_wait3A_152 : memref<1x1x80xi32, #tpu.memory_space<vmem>> -> memref<80xi32, #tpu.memory_space<vmem>>
        %dma_wait3A_154 = arith.constant 0 : i32
        %dma_wait3A_155 = arith.constant 0 : i32
        %dma_wait3A_156 = tpu.memref_slice %arg10[%dma_wait3A_154, %dma_wait3A_155] : memref<10240x64xf32, #tpu.memory_space<vmem_shared>> -> memref<10240x64xf32, #tpu.memory_space<vmem_shared>>
        tpu.wait_indirect_dma semaphore(%arg15 : memref<!tpu.dma_semaphore, #tpu.memory_space<semaphore_mem>>) src(%arg8 : memref<80x64xf32, #tpu.memory_space<vmem>>) dst(%dma_wait3A_156 : memref<10240x64xf32, #tpu.memory_space<vmem_shared>>)
        %lt3A = arith.constant 7 : i32
        %lt3A_157 = arith.cmpi slt, %scan3A_75, %lt3A : i32
        %convert_element_type3A_158 = arith.extui %lt3A_157 : i1 to i32
        %cond3A_159 = arith.constant 0 : i32
        %cond3A_160 = arith.cmpi ne, %convert_element_type3A_158, %cond3A_159 : i32
        scf.if %cond3A_160 {
          %add3A_161 = arith.constant 4 : i32
          %add3A_162 = arith.addi %mul3A_77, %add3A_161 : i32
          %dma_start3A_163 = arith.constant 0 : i32
          %dma_start3A_164 = arith.constant 0 : i32
          %dma_start3A_165 = tpu.memref_slice %arg6[%dma_start3A_163, %add3A_162, %dma_start3A_164] : memref<2x25x80xi32, #tpu.memory_space<vmem>> -> memref<1x1x80xi32, #tpu.memory_space<vmem>>
          %dma_start3A_166 = tpu.memref_squeeze %dma_start3A_165 : memref<1x1x80xi32, #tpu.memory_space<vmem>> -> memref<80xi32, #tpu.memory_space<vmem>>
          %dma_start3A_167 = arith.constant 0 : i32
          %dma_start3A_168 = arith.constant 0 : i32
          %dma_start3A_169 = tpu.memref_slice %arg2[%dma_start3A_167, %dma_start3A_168] : memref<10000x64xf32, #tpu.memory_space<hbm>> -> memref<10000x64xf32, #tpu.memory_space<hbm>>
          tpu.enqueue_indirect_dma source(%dma_start3A_169 : memref<10000x64xf32, #tpu.memory_space<hbm>>) target(%arg8 : memref<80x64xf32, #tpu.memory_space<vmem>>) offsets(%dma_start3A_166 : memref<80xi32, #tpu.memory_space<vmem>>) semaphore(%arg12 : memref<!tpu.dma_semaphore, #tpu.memory_space<semaphore_mem>>)
        } else {
        }
      }
      %scan3A_45 = arith.constant 8 : i32
      %dma_wait3A = arith.constant 0 : i32
      %dma_wait3A_46 = arith.constant 0 : i32
      %dma_wait3A_47 = tpu.memref_slice %arg2[%dma_wait3A, %dma_wait3A_46] : memref<10000x64xf32, #tpu.memory_space<hbm>> -> memref<80x64xf32, #tpu.memory_space<hbm>>
      %dma_wait3A_48 = arith.constant 0 : i32
      %dma_wait3A_49 = arith.constant 0 : i32
      %dma_wait3A_50 = tpu.memref_slice %arg2[%dma_wait3A_48, %dma_wait3A_49] : memref<10000x64xf32, #tpu.memory_space<hbm>> -> memref<80x64xf32, #tpu.memory_space<hbm>>
      tpu.wait_dma2 semaphore(%arg11 : memref<!tpu.dma_semaphore, #tpu.memory_space<semaphore_mem>>) src(%dma_wait3A_50 : memref<80x64xf32, #tpu.memory_space<hbm>>) dst(%arg7 : memref<80x64xf32, #tpu.memory_space<vmem>>)
      %dma_start3A_51 = arith.constant 1 : i32
      %dma_start3A_52 = arith.constant 24 : i32
      %dma_start3A_53 = arith.constant 0 : i32
      %dma_start3A_54 = tpu.memref_slice %arg6[%dma_start3A_51, %dma_start3A_52, %dma_start3A_53] : memref<2x25x80xi32, #tpu.memory_space<vmem>> -> memref<1x1x80xi32, #tpu.memory_space<vmem>>
      %dma_start3A_55 = tpu.memref_squeeze %dma_start3A_54 : memref<1x1x80xi32, #tpu.memory_space<vmem>> -> memref<80xi32, #tpu.memory_space<vmem>>
      %dma_start3A_56 = arith.constant 0 : i32
      %dma_start3A_57 = arith.constant 0 : i32
      %dma_start3A_58 = tpu.memref_slice %arg10[%dma_start3A_56, %dma_start3A_57] : memref<10240x64xf32, #tpu.memory_space<vmem_shared>> -> memref<10240x64xf32, #tpu.memory_space<vmem_shared>>
      tpu.enqueue_indirect_dma source(%arg7 : memref<80x64xf32, #tpu.memory_space<vmem>>) target(%dma_start3A_58 : memref<10240x64xf32, #tpu.memory_space<vmem_shared>>) offsets(%dma_start3A_55 : memref<80xi32, #tpu.memory_space<vmem>>) semaphore(%arg14 : memref<!tpu.dma_semaphore, #tpu.memory_space<semaphore_mem>>) {add = true}
      %dma_wait3A_59 = arith.constant 1 : i32
      %dma_wait3A_60 = arith.constant 23 : i32
      %dma_wait3A_61 = arith.constant 0 : i32
      %dma_wait3A_62 = tpu.memref_slice %arg6[%dma_wait3A_59, %dma_wait3A_60, %dma_wait3A_61] : memref<2x25x80xi32, #tpu.memory_space<vmem>> -> memref<1x1x80xi32, #tpu.memory_space<vmem>>
      %dma_wait3A_63 = tpu.memref_squeeze %dma_wait3A_62 : memref<1x1x80xi32, #tpu.memory_space<vmem>> -> memref<80xi32, #tpu.memory_space<vmem>>
      %dma_wait3A_64 = arith.constant 0 : i32
      %dma_wait3A_65 = arith.constant 0 : i32
      %dma_wait3A_66 = tpu.memref_slice %arg10[%dma_wait3A_64, %dma_wait3A_65] : memref<10240x64xf32, #tpu.memory_space<vmem_shared>> -> memref<10240x64xf32, #tpu.memory_space<vmem_shared>>
      tpu.wait_indirect_dma semaphore(%arg16 : memref<!tpu.dma_semaphore, #tpu.memory_space<semaphore_mem>>) src(%arg9 : memref<80x64xf32, #tpu.memory_space<vmem>>) dst(%dma_wait3A_66 : memref<10240x64xf32, #tpu.memory_space<vmem_shared>>)
      %dma_wait3A_67 = arith.constant 1 : i32
      %dma_wait3A_68 = arith.constant 24 : i32
      %dma_wait3A_69 = arith.constant 0 : i32
      %dma_wait3A_70 = tpu.memref_slice %arg6[%dma_wait3A_67, %dma_wait3A_68, %dma_wait3A_69] : memref<2x25x80xi32, #tpu.memory_space<vmem>> -> memref<1x1x80xi32, #tpu.memory_space<vmem>>
      %dma_wait3A_71 = tpu.memref_squeeze %dma_wait3A_70 : memref<1x1x80xi32, #tpu.memory_space<vmem>> -> memref<80xi32, #tpu.memory_space<vmem>>
      %dma_wait3A_72 = arith.constant 0 : i32
      %dma_wait3A_73 = arith.constant 0 : i32
      %dma_wait3A_74 = tpu.memref_slice %arg10[%dma_wait3A_72, %dma_wait3A_73] : memref<10240x64xf32, #tpu.memory_space<vmem_shared>> -> memref<10240x64xf32, #tpu.memory_space<vmem_shared>>
      tpu.wait_indirect_dma semaphore(%arg14 : memref<!tpu.dma_semaphore, #tpu.memory_space<semaphore_mem>>) src(%arg7 : memref<80x64xf32, #tpu.memory_space<vmem>>) dst(%dma_wait3A_74 : memref<10240x64xf32, #tpu.memory_space<vmem_shared>>)
    }
    %scan3A_17 = arith.constant 5 : i32
    %barrier3A_18 = arith.constant 0 : index
    tpu.barrier barrier_id(%barrier3A_18)
    %mul3A_19 = arith.constant 640 : i32
    %mul3A_20 = arith.muli %arg1, %mul3A_19 : i32
    %mul3A_21 = arith.constant 640 : i32
    %mul3A_22 = arith.muli %arg1, %mul3A_21 : i32
    "tpu.region"() ({
      %run_scoped3A = tpu.sem_alloc : memref<!tpu.dma_semaphore, #tpu.memory_space<semaphore_mem>>
      %dma_start3A = arith.constant 0 : i32
      %dma_start3A_23 = tpu.memref_slice %arg5[%arg0, %mul3A_22, %dma_start3A] : memref<2x10240x64xf32, #tpu.memory_space<hbm>> -> memref<1x640x64xf32, #tpu.memory_space<hbm>>
      %dma_start3A_24 = tpu.memref_squeeze %dma_start3A_23 : memref<1x640x64xf32, #tpu.memory_space<hbm>> -> memref<640x64xf32, #tpu.memory_space<hbm>>
      %dma_start3A_25 = arith.constant 0 : i32
      %dma_start3A_26 = tpu.memref_slice %arg10[%mul3A_20, %dma_start3A_25] : memref<10240x64xf32, #tpu.memory_space<vmem_shared>> -> memref<640x64xf32, #tpu.memory_space<vmem_shared>>
      tpu.enqueue_dma source(%dma_start3A_26 : memref<640x64xf32, #tpu.memory_space<vmem_shared>>) target(%dma_start3A_24 : memref<640x64xf32, #tpu.memory_space<hbm>>) target_semaphore(%run_scoped3A : memref<!tpu.dma_semaphore, #tpu.memory_space<semaphore_mem>>)
      %dma_wait3A = arith.constant 0 : i32
      %dma_wait3A_27 = tpu.memref_slice %arg5[%arg0, %mul3A_22, %dma_wait3A] : memref<2x10240x64xf32, #tpu.memory_space<hbm>> -> memref<1x640x64xf32, #tpu.memory_space<hbm>>
      %dma_wait3A_28 = tpu.memref_squeeze %dma_wait3A_27 : memref<1x640x64xf32, #tpu.memory_space<hbm>> -> memref<640x64xf32, #tpu.memory_space<hbm>>
      %dma_wait3A_29 = arith.constant 0 : i32
      %dma_wait3A_30 = tpu.memref_slice %arg10[%mul3A_20, %dma_wait3A_29] : memref<10240x64xf32, #tpu.memory_space<vmem_shared>> -> memref<640x64xf32, #tpu.memory_space<vmem_shared>>
      tpu.wait_dma2 semaphore(%run_scoped3A : memref<!tpu.dma_semaphore, #tpu.memory_space<semaphore_mem>>) src(%dma_wait3A_30 : memref<640x64xf32, #tpu.memory_space<vmem_shared>>) dst(%dma_wait3A_28 : memref<640x64xf32, #tpu.memory_space<hbm>>)
      tpu.yield
    }) : () -> ()
    return
  }
}

module attributes {stable_mosaic.version = 14 : i64} {
  func.func @_tc_a1_body(%arg0: i32, %arg1: memref<1024x128xf32, #tpu.memory_space<vmem>>, %arg2: memref<128x128xf32, #tpu.memory_space<vmem>>, %arg3: memref<1024x128xf32, #tpu.memory_space<vmem>>) attributes {dimension_semantics = [#tpu.dimension_semantics<arbitrary>], iteration_bounds = array<i64: 10>, scalar_prefetch = 0 : i64, scratch_operands = 0 : i64, tpu.core_type = #tpu.core_type<tc>, window_params = [{transform_indices = @transform_0, window_bounds = array<i64: 1024, 128>}, {pipeline_mode = #tpu.pipeline_mode<synchronous>, transform_indices = @transform_1, window_bounds = array<i64: 128, 128>}, {transform_indices = @transform_2, window_bounds = array<i64: 1024, 128>}]} {
    %get3A = arith.constant 0 : index
    %get3A_0 = arith.constant 0 : index
    %get3A_1 = vector.load %arg1[%get3A, %get3A_0] : memref<1024x128xf32, #tpu.memory_space<vmem>>, vector<1024x128xf32>
    %get3A_2 = arith.constant 0 : index
    %get3A_3 = arith.constant 0 : index
    %get3A_4 = vector.load %arg2[%get3A_2, %get3A_3] : memref<128x128xf32, #tpu.memory_space<vmem>>, vector<128x128xf32>
    %dot_general3A = arith.constant dense<0.000000e+00> : vector<1024x128xf32>
    %dot_general3A_5 = tpu.matmul %get3A_1, %get3A_4, %dot_general3A {dimension_numbers = #tpu.dot_dimension_numbers<[1], [0], [0], [1], [0, 0, 1, 1], [], []>, transpose_lhs_hint = false} : vector<1024x128xf32>, vector<128x128xf32>, vector<1024x128xf32> -> vector<1024x128xf32>
    %swap3A = arith.constant 0 : index
    %swap3A_6 = arith.constant 0 : index
    %swap3A_7 = vector.load %arg3[%swap3A, %swap3A_6] : memref<1024x128xf32, #tpu.memory_space<vmem>>, vector<1024x128xf32>
    tpu.vector_store %arg3[%swap3A, %swap3A_6], %dot_general3A_5 {strides = array<i32>} : memref<1024x128xf32, #tpu.memory_space<vmem>>, vector<1024x128xf32>,
    return
  }
  func.func @transform_0(%arg0: i32) -> (i32, i32) {
    %c0_i32 = arith.constant 0 : i32
    %c0_i32_0 = arith.constant 0 : i32
    return %arg0, %c0_i32 : i32, i32
  }
  func.func @transform_1(%arg0: i32) -> (i32, i32) {
    %c0_i32 = arith.constant 0 : i32
    %c0_i32_0 = arith.constant 0 : i32
    %c0_i32_1 = arith.constant 0 : i32
    return %c0_i32, %c0_i32_0 : i32, i32
  }
  func.func @transform_2(%arg0: i32) -> (i32, i32) {
    %c0_i32 = arith.constant 0 : i32
    %c0_i32_0 = arith.constant 0 : i32
    return %arg0, %c0_i32 : i32, i32
  }
}

module attributes {stable_mosaic.version = 14 : i64} {
  func.func @_tc_a2_body(%arg0: i32, %arg1: memref<1024xf32, #tpu.memory_space<vmem>>, %arg2: memref<1024xf32, #tpu.memory_space<vmem>>, %arg3: memref<1024x128xf32, #tpu.memory_space<vmem>>, %arg4: memref<1024x128xf32, #tpu.memory_space<vmem>>, %arg5: memref<1024xf32, #tpu.memory_space<vmem>>) attributes {dimension_semantics = [#tpu.dimension_semantics<arbitrary>], iteration_bounds = array<i64: 10>, scalar_prefetch = 0 : i64, scratch_operands = 0 : i64, tpu.core_type = #tpu.core_type<tc>, window_params = [{transform_indices = @transform_0, window_bounds = array<i64: 1024>}, {transform_indices = @transform_1, window_bounds = array<i64: 1024>}, {transform_indices = @transform_2, window_bounds = array<i64: 1024, 128>}, {transform_indices = @transform_3, window_bounds = array<i64: 1024, 128>}, {transform_indices = @transform_4, window_bounds = array<i64: 1024>}]} {
    %get3A = arith.constant 0 : index
    %get3A_0 = vector.load %arg1[%get3A] : memref<1024xf32, #tpu.memory_space<vmem>>, vector<1024xf32>
    %get3A_1 = arith.constant 0 : index
    %get3A_2 = vector.load %arg2[%get3A_1] : memref<1024xf32, #tpu.memory_space<vmem>>, vector<1024xf32>
    %add3A = arith.addf %get3A_0, %get3A_2 : vector<1024xf32>
    %add3A_3 = arith.constant 1.000000e+00 : f32
    %add3A_4 = vector.broadcast %add3A_3 : f32 to vector<1024xf32>
    %add3A_5 = arith.addf %add3A, %add3A_4 : vector<1024xf32>
    %rsqrt3A = math.rsqrt %add3A_5 : vector<1024xf32>
    %get3A_6 = arith.constant 0 : index
    %get3A_7 = arith.constant 0 : index
    %get3A_8 = vector.load %arg3[%get3A_6, %get3A_7] : memref<1024x128xf32, #tpu.memory_space<vmem>>, vector<1024x128xf32>
    %broadcast_in_dim3A = vector.shape_cast %rsqrt3A : vector<1024xf32> to vector<1024x1xf32>
    %mul3A = vector.broadcast %broadcast_in_dim3A : vector<1024x1xf32> to vector<1024x128xf32>
    %mul3A_9 = arith.mulf %get3A_8, %mul3A : vector<1024x128xf32>
    %swap3A = arith.constant 0 : index
    %swap3A_10 = arith.constant 0 : index
    %swap3A_11 = vector.load %arg4[%swap3A, %swap3A_10] : memref<1024x128xf32, #tpu.memory_space<vmem>>, vector<1024x128xf32>
    tpu.vector_store %arg4[%swap3A, %swap3A_10], %mul3A_9 {strides = array<i32>} : memref<1024x128xf32, #tpu.memory_space<vmem>>, vector<1024x128xf32>,
    %swap3A_12 = arith.constant 0 : index
    %swap3A_13 = vector.load %arg5[%swap3A_12] : memref<1024xf32, #tpu.memory_space<vmem>>, vector<1024xf32>
    tpu.vector_store %arg5[%swap3A_12], %rsqrt3A {strides = array<i32>} : memref<1024xf32, #tpu.memory_space<vmem>>, vector<1024xf32>,
    return
  }
  func.func @transform_0(%arg0: i32) -> i32 {
    %c0_i32 = arith.constant 0 : i32
    return %arg0 : i32
  }
  func.func @transform_1(%arg0: i32) -> i32 {
    %c0_i32 = arith.constant 0 : i32
    return %arg0 : i32
  }
  func.func @transform_2(%arg0: i32) -> (i32, i32) {
    %c0_i32 = arith.constant 0 : i32
    %c0_i32_0 = arith.constant 0 : i32
    return %arg0, %c0_i32 : i32, i32
  }
  func.func @transform_3(%arg0: i32) -> (i32, i32) {
    %c0_i32 = arith.constant 0 : i32
    %c0_i32_0 = arith.constant 0 : i32
    return %arg0, %c0_i32 : i32, i32
  }
  func.func @transform_4(%arg0: i32) -> i32 {
    %c0_i32 = arith.constant 0 : i32
    return %arg0 : i32
  }
}

module attributes {stable_mosaic.version = 14 : i64} {
  func.func @_tc_b_body(%arg0: i32, %arg1: memref<2x1024x128xf32, #tpu.memory_space<vmem>>, %arg2: memref<1024x128xf32, #tpu.memory_space<vmem>>, %arg3: memref<1024xf32, #tpu.memory_space<vmem>>, %arg4: memref<1x128xf32, #tpu.memory_space<vmem>>, %arg5: memref<128x64xf32, #tpu.memory_space<vmem>>, %arg6: memref<1024x64xf32, #tpu.memory_space<vmem>>) attributes {dimension_semantics = [#tpu.dimension_semantics<arbitrary>], iteration_bounds = array<i64: 10>, scalar_prefetch = 0 : i64, scratch_operands = 0 : i64, tpu.core_type = #tpu.core_type<tc>, window_params = [{transform_indices = @transform_0, window_bounds = array<i64: 2, 1024, 128>}, {transform_indices = @transform_1, window_bounds = array<i64: 1024, 128>}, {transform_indices = @transform_2, window_bounds = array<i64: 1024>}, {pipeline_mode = #tpu.pipeline_mode<synchronous>, transform_indices = @transform_3, window_bounds = array<i64: 1, 128>}, {pipeline_mode = #tpu.pipeline_mode<synchronous>, transform_indices = @transform_4, window_bounds = array<i64: 128, 64>}, {transform_indices = @transform_5, window_bounds = array<i64: 1024, 64>}]} {
    %get3A = arith.constant 0 : index
    %get3A_0 = vector.load %arg3[%get3A] : memref<1024xf32, #tpu.memory_space<vmem>>, vector<1024xf32>
    %broadcast_in_dim3A = vector.shape_cast %get3A_0 : vector<1024xf32> to vector<1024x1xf32>
    %get3A_1 = arith.constant 0 : index
    %get3A_2 = arith.constant 0 : index
    %get3A_3 = arith.constant 0 : index
    %get3A_4 = vector.load %arg1[%get3A_1, %get3A_2, %get3A_3] : memref<2x1024x128xf32, #tpu.memory_space<vmem>>, vector<1x1024x128xf32>
    %get3A_5 = vector.shape_cast %get3A_4 : vector<1x1024x128xf32> to vector<1024x128xf32>
    %get3A_6 = arith.constant 1 : index
    %get3A_7 = arith.constant 0 : index
    %get3A_8 = arith.constant 0 : index
    %get3A_9 = vector.load %arg1[%get3A_6, %get3A_7, %get3A_8] : memref<2x1024x128xf32, #tpu.memory_space<vmem>>, vector<1x1024x128xf32>
    %get3A_10 = vector.shape_cast %get3A_9 : vector<1x1024x128xf32> to vector<1024x128xf32>
    %add3A = arith.addf %get3A_5, %get3A_10 : vector<1024x128xf32>
    %get3A_11 = arith.constant 0 : index
    %get3A_12 = arith.constant 0 : index
    %get3A_13 = vector.load %arg2[%get3A_11, %get3A_12] : memref<1024x128xf32, #tpu.memory_space<vmem>>, vector<1024x128xf32>
    %add3A_14 = arith.addf %add3A, %get3A_13 : vector<1024x128xf32>
    %mul3A = vector.broadcast %broadcast_in_dim3A : vector<1024x1xf32> to vector<1024x128xf32>
    %mul3A_15 = arith.mulf %mul3A, %add3A_14 : vector<1024x128xf32>
    %get3A_16 = arith.constant 0 : index
    %get3A_17 = arith.constant 0 : index
    %get3A_18 = vector.load %arg4[%get3A_16, %get3A_17] : memref<1x128xf32, #tpu.memory_space<vmem>>, vector<1x128xf32>
    %add3A_19 = vector.broadcast %get3A_18 : vector<1x128xf32> to vector<1024x128xf32>
    %add3A_20 = arith.addf %mul3A_15, %add3A_19 : vector<1024x128xf32>
    %max3A = arith.constant 0.000000e+00 : f32
    %max3A_21 = vector.broadcast %max3A : f32 to vector<1024x128xf32>
    %max3A_22 = arith.maximumf %add3A_20, %max3A_21 : vector<1024x128xf32>
    %get3A_23 = arith.constant 0 : index
    %get3A_24 = arith.constant 0 : index
    %get3A_25 = vector.load %arg5[%get3A_23, %get3A_24] : memref<128x64xf32, #tpu.memory_space<vmem>>, vector<128x64xf32>
    %dot_general3A = arith.constant dense<0.000000e+00> : vector<1024x64xf32>
    %dot_general3A_26 = tpu.matmul %max3A_22, %get3A_25, %dot_general3A {dimension_numbers = #tpu.dot_dimension_numbers<[1], [0], [0], [1], [0, 0, 1, 1], [], []>, transpose_lhs_hint = false} : vector<1024x128xf32>, vector<128x64xf32>, vector<1024x64xf32> -> vector<1024x64xf32>
    %mul3A_27 = vector.broadcast %broadcast_in_dim3A : vector<1024x1xf32> to vector<1024x64xf32>
    %mul3A_28 = arith.mulf %dot_general3A_26, %mul3A_27 : vector<1024x64xf32>
    %swap3A = arith.constant 0 : index
    %swap3A_29 = arith.constant 0 : index
    %swap3A_30 = vector.load %arg6[%swap3A, %swap3A_29] : memref<1024x64xf32, #tpu.memory_space<vmem>>, vector<1024x64xf32>
    tpu.vector_store %arg6[%swap3A, %swap3A_29], %mul3A_28 {strides = array<i32>} : memref<1024x64xf32, #tpu.memory_space<vmem>>, vector<1024x64xf32>,
    return
  }
  func.func @transform_0(%arg0: i32) -> (i32, i32, i32) {
    %c0_i32 = arith.constant 0 : i32
    %c0_i32_0 = arith.constant 0 : i32
    %c0_i32_1 = arith.constant 0 : i32
    return %c0_i32, %arg0, %c0_i32_0 : i32, i32, i32
  }
  func.func @transform_1(%arg0: i32) -> (i32, i32) {
    %c0_i32 = arith.constant 0 : i32
    %c0_i32_0 = arith.constant 0 : i32
    return %arg0, %c0_i32 : i32, i32
  }
  func.func @transform_2(%arg0: i32) -> i32 {
    %c0_i32 = arith.constant 0 : i32
    return %arg0 : i32
  }
  func.func @transform_3(%arg0: i32) -> (i32, i32) {
    %c0_i32 = arith.constant 0 : i32
    %c0_i32_0 = arith.constant 0 : i32
    %c0_i32_1 = arith.constant 0 : i32
    return %c0_i32, %c0_i32_0 : i32, i32
  }
  func.func @transform_4(%arg0: i32) -> (i32, i32) {
    %c0_i32 = arith.constant 0 : i32
    %c0_i32_0 = arith.constant 0 : i32
    %c0_i32_1 = arith.constant 0 : i32
    return %c0_i32, %c0_i32_0 : i32, i32
  }
  func.func @transform_5(%arg0: i32) -> (i32, i32) {
    %c0_i32 = arith.constant 0 : i32
    %c0_i32_0 = arith.constant 0 : i32
    return %arg0, %c0_i32 : i32, i32
  }
}

module attributes {stable_mosaic.version = 14 : i64} {
  func.func @_tc_c_body(%arg0: i32, %arg1: memref<2x1024x64xf32, #tpu.memory_space<vmem>>, %arg2: memref<1024x64xf32, #tpu.memory_space<vmem>>, %arg3: memref<1024xf32, #tpu.memory_space<vmem>>, %arg4: memref<1x64xf32, #tpu.memory_space<vmem>>, %arg5: memref<1024x64xf32, #tpu.memory_space<vmem>>) attributes {dimension_semantics = [#tpu.dimension_semantics<arbitrary>], iteration_bounds = array<i64: 10>, scalar_prefetch = 0 : i64, scratch_operands = 0 : i64, tpu.core_type = #tpu.core_type<tc>, window_params = [{transform_indices = @transform_0, window_bounds = array<i64: 2, 1024, 64>}, {transform_indices = @transform_1, window_bounds = array<i64: 1024, 64>}, {transform_indices = @transform_2, window_bounds = array<i64: 1024>}, {pipeline_mode = #tpu.pipeline_mode<synchronous>, transform_indices = @transform_3, window_bounds = array<i64: 1, 64>}, {transform_indices = @transform_4, window_bounds = array<i64: 1024, 64>}]} {
    %get3A = arith.constant 0 : index
    %get3A_0 = vector.load %arg3[%get3A] : memref<1024xf32, #tpu.memory_space<vmem>>, vector<1024xf32>
    %broadcast_in_dim3A = vector.shape_cast %get3A_0 : vector<1024xf32> to vector<1024x1xf32>
    %get3A_1 = arith.constant 0 : index
    %get3A_2 = arith.constant 0 : index
    %get3A_3 = arith.constant 0 : index
    %get3A_4 = vector.load %arg1[%get3A_1, %get3A_2, %get3A_3] : memref<2x1024x64xf32, #tpu.memory_space<vmem>>, vector<1x1024x64xf32>
    %get3A_5 = vector.shape_cast %get3A_4 : vector<1x1024x64xf32> to vector<1024x64xf32>
    %get3A_6 = arith.constant 1 : index
    %get3A_7 = arith.constant 0 : index
    %get3A_8 = arith.constant 0 : index
    %get3A_9 = vector.load %arg1[%get3A_6, %get3A_7, %get3A_8] : memref<2x1024x64xf32, #tpu.memory_space<vmem>>, vector<1x1024x64xf32>
    %get3A_10 = vector.shape_cast %get3A_9 : vector<1x1024x64xf32> to vector<1024x64xf32>
    %add3A = arith.addf %get3A_5, %get3A_10 : vector<1024x64xf32>
    %get3A_11 = arith.constant 0 : index
    %get3A_12 = arith.constant 0 : index
    %get3A_13 = vector.load %arg2[%get3A_11, %get3A_12] : memref<1024x64xf32, #tpu.memory_space<vmem>>, vector<1024x64xf32>
    %add3A_14 = arith.addf %add3A, %get3A_13 : vector<1024x64xf32>
    %mul3A = vector.broadcast %broadcast_in_dim3A : vector<1024x1xf32> to vector<1024x64xf32>
    %mul3A_15 = arith.mulf %mul3A, %add3A_14 : vector<1024x64xf32>
    %get3A_16 = arith.constant 0 : index
    %get3A_17 = arith.constant 0 : index
    %get3A_18 = vector.load %arg4[%get3A_16, %get3A_17] : memref<1x64xf32, #tpu.memory_space<vmem>>, vector<1x64xf32>
    %add3A_19 = vector.broadcast %get3A_18 : vector<1x64xf32> to vector<1024x64xf32>
    %add3A_20 = arith.addf %mul3A_15, %add3A_19 : vector<1024x64xf32>
    %reduce_max3A = arith.constant dense<0xFF800000> : vector<1024xf32>
    %reduce_max3A_21 = vector.multi_reduction <maximumf>, %add3A_20, %reduce_max3A [1] : vector<1024x64xf32> to vector<1024xf32>
    %broadcast_in_dim3A_22 = vector.shape_cast %reduce_max3A_21 : vector<1024xf32> to vector<1024x1xf32>
    %sub3A = vector.broadcast %broadcast_in_dim3A_22 : vector<1024x1xf32> to vector<1024x64xf32>
    %sub3A_23 = arith.subf %add3A_20, %sub3A : vector<1024x64xf32>
    %exp3A = math.exp %sub3A_23 : vector<1024x64xf32>
    %reduce_sum3A = arith.constant dense<0.000000e+00> : vector<1024xf32>
    %reduce_sum3A_24 = vector.multi_reduction <add>, %exp3A, %reduce_sum3A [1] : vector<1024x64xf32> to vector<1024xf32>
    %broadcast_in_dim3A_25 = vector.shape_cast %reduce_sum3A_24 : vector<1024xf32> to vector<1024x1xf32>
    %log3A = math.log %broadcast_in_dim3A_25 : vector<1024x1xf32>
    %add3A_26 = arith.addf %log3A, %broadcast_in_dim3A_22 : vector<1024x1xf32>
    %sub3A_27 = vector.broadcast %add3A_26 : vector<1024x1xf32> to vector<1024x64xf32>
    %sub3A_28 = arith.subf %add3A_20, %sub3A_27 : vector<1024x64xf32>
    %swap3A = arith.constant 0 : index
    %swap3A_29 = arith.constant 0 : index
    %swap3A_30 = vector.load %arg5[%swap3A, %swap3A_29] : memref<1024x64xf32, #tpu.memory_space<vmem>>, vector<1024x64xf32>
    tpu.vector_store %arg5[%swap3A, %swap3A_29], %sub3A_28 {strides = array<i32>} : memref<1024x64xf32, #tpu.memory_space<vmem>>, vector<1024x64xf32>,
    return
  }
  func.func @transform_0(%arg0: i32) -> (i32, i32, i32) {
    %c0_i32 = arith.constant 0 : i32
    %c0_i32_0 = arith.constant 0 : i32
    %c0_i32_1 = arith.constant 0 : i32
    return %c0_i32, %arg0, %c0_i32_0 : i32, i32, i32
  }
  func.func @transform_1(%arg0: i32) -> (i32, i32) {
    %c0_i32 = arith.constant 0 : i32
    %c0_i32_0 = arith.constant 0 : i32
    return %arg0, %c0_i32 : i32, i32
  }
  func.func @transform_2(%arg0: i32) -> i32 {
    %c0_i32 = arith.constant 0 : i32
    return %arg0 : i32
  }
  func.func @transform_3(%arg0: i32) -> (i32, i32) {
    %c0_i32 = arith.constant 0 : i32
    %c0_i32_0 = arith.constant 0 : i32
    %c0_i32_1 = arith.constant 0 : i32
    return %c0_i32, %c0_i32_0 : i32, i32
  }
  func.func @transform_4(%arg0: i32) -> (i32, i32) {
    %c0_i32 = arith.constant 0 : i32
    %c0_i32_0 = arith.constant 0 : i32
    return %arg0, %c0_i32 : i32, i32
  }
}

</mosaic_0001>

<sc_bundles>
// kernel: kernel.12.cloned.1.call-start
scs
__scs_entry_jumppad:
0x0: {  	(pc) =	sbr.rel $0x88, $3  }
0x1: {  	(tag) =	ssettag $0x0;
	lr =	simm.s32 $0x1  }
0x2: {  	[smem:$0x3F9B] =	sst lr;
	_ =	strace $0xD0000000  }
0x3: {  	_ = 	snop  }
0x4: {  	_ = 	snop  }
0x5: {  	_ = 	snop  }
0x6: {  	_ = 	snop  }
0x7: {  	_ = 	snop  }
__scs_overlays_trampoline_lowered:
0x8: {  	[smem:$0x3FAA] =	sst s0  }
0x9: {  	[smem:$0x3FAB] =	sst s1  }
0xa: {  	[smem:$0x3FAC] =	sst s2  }
0xb: {  	[smem:$0x3FAD] =	sst s3  }
0xc: {  	[smem:$0x3FAE] =	sst s4  }
0xd: {  	[smem:$0x3FAF] =	sst s5  }
0xe: {  	[smem:$0x3FB0] =	sst s6  }
0xf: {  	[smem:$0x3FB1] =	sst s7  }
0x10: {  	[smem:$0x3FB2] =	sst s8  }
0x11: {  	[smem:$0x3FB3] =	sst s9;
	s0 =	simm.s32 @!p0 $0x0  }
0x12: {  	s1 =	sld [smem:$0x3F99];
	s0 =	simm.s32 @p0 $0x1  }
0x13: {  	[smem:$0x3FB4] =	sst s0;
	s0 =	simm.s32 @!p1 $0x0  }
0x14: {  	s2 =	sld [smem:$0x3F98];
	s0 =	simm.s32 @p1 $0x1  }
0x15: {  	[smem:$0x3FB5] =	sst s0;
	s0 =	simm.s32 @!p2 $0x0  }
0x16: {  	s3 =	sld [smem:$0x3FDB];
	s0 =	simm.s32 @p2 $0x1  }
0x17: {  	s4 =	simm.s32 $0x1BF5;
	[smem:$0x3FB7] =	sst s0  }
0x18: {  	s0 =	sld [smem:$0x3F9A];
	_ =	swait.ge [sflag:s4], $0x0  }
0x19: {  	s7 =	sld [smem:$0x3F9B]  }
0x1a: {  	s8 =	sadd.s32 $0xFFFFE003, lr  }
0x1b: {  	s9 =	sadd.s32 $0xFFFFFEF7, lr;
	s5 =	simm.s32 $0xFFFFFFFF;
	p2 =	slt.u32 s8, $0xFFFFF086  }
0x1c: {  	p1 =	slt.u32 s9, $0xF7A;
	s5 =	simm.s32 @!p2 $0x0  }
0x1d: {  	s5 =	simm.s32 @p1 $0x1;
	p0 =	seq.s32 s7, s2  }
0x1e: {  	s7 =	smul.u32 @!p0 $0xF7A, s2;
	p2 =	seq.s32 @!p0 s5, $0x0  }
0x1f: {  	s9 =	smul.u32 $0xF7A, s1;
	s8 =	simm.s32 @!p0 $0x1BF5;
	p2 =	por !p2, p0  }
0x20: {  	[sflag:s8] =	ssyncset.s32 @!p0 $0xFFFFF086;
	s6 =	sadd.s32 @!p0 s3, s7;
	s7 =	simm.s32 @!p0 $0x108  }
0x21: {  	s3 =	sadd.s32 s3, s9;
	s6 =	sadd.s32 @!p0 $0x88, s6;
	s7 =	simm.s32 @p2 $0x1082  }
0x22: {  	[simem:s7], [sflag:s8] =	dma.local @!p0 [hbm:s6], $0xF7A  }
0x23: {  	s9 =	sor.u32 $0xD0000000, s2;
	s6 =	simm.s32 $0x108;
	_ =	swait.ge @!p0 [sflag:s8], $0x0  }
0x24: {  	s3 =	sadd.s32 $0x88, s3;
	s6 =	simm.s32 @!p1 $0x1082;
	[sflag:s4] =	ssyncset.s32 $0xFFFFF086  }
0x25: {  	[simem:s6], [sflag:s4] =	dma.local [hbm:s3], $0xF7A  }
0x26: {  	[smem:$0x3F9B] =	sst s1;
	(tag) =	ssettag s2;
	_ =	strace s9  }
0x27: {  	s1 =	sld [smem:$0x3FAB]  }
0x28: {  	s2 =	sld [smem:$0x3FAC]  }
0x29: {  	s4 =	sld [smem:$0x3FAE]  }
0x2a: {  	p0 =	seq.s32 s5, $0x0;
	s5 =	sld [smem:$0x3FAF]  }
0x2b: {  	s6 =	sld [smem:$0x3FB0]  }
0x2c: {  	s7 =	sld [smem:$0x3FB1]  }
0x2d: {  	s3 =	simm.s32 $0x108;
	s8 =	sld [smem:$0x3FB2]  }
0x2e: {  	s3 =	simm.s32 @!p0 $0x1082;
	s9 =	sld [smem:$0x3FB3]  }
0x2f: {  	lr =	sadd.s32 s0, s3;
	s0 =	sld [smem:$0x3FAA]  }
0x30: {  	s3 =	sld [smem:$0x3FAD]  }
0x31: {  	[smem:$0x3FB6] =	sst s10  }
0x32: {  	s10 =	sld [smem:$0x3FB4];
	_ =	sdelay $0x3  }
0x33: {  	p0 =	seq.s32 s10, $0x1;
	s10 =	sld [smem:$0x3FB6];
	_ =	sdelay $0x3  }
0x34: {  	[smem:$0x3FB6] =	sst s10  }
0x35: {  	s10 =	sld [smem:$0x3FB5];
	_ =	sdelay $0x3  }
0x36: {  	p1 =	seq.s32 s10, $0x1;
	s10 =	sld [smem:$0x3FB6];
	_ =	sdelay $0x3  }
0x37: {  	[smem:$0x3FB6] =	sst s10  }
0x38: {  	s10 =	sld [smem:$0x3FB7]  }
0x39: {  	_ = 	snop;
	(pc) =	sbr.ind lr, $3  }
0x3a: {  	_ = 	snop  }
0x3b: {  	_ = 	snop  }
0x3c: {  	p2 =	seq.s32 s10, $0x1;
	s10 =	sld [smem:$0x3FB6]  }
0x3d: {  	_ =	shalt  }
0x3e: {  	_ =	shalt  }
0x3f: {  	_ =	shalt  }
0x40: {  	_ =	shalt  }
0x41: {  	_ =	shalt  }
0x42: {  	_ =	shalt  }
0x43: {  	_ =	shalt  }
0x44: {  	_ =	shalt  }
0x45: {  	_ =	shalt  }
0x46: {  	_ =	shalt  }
0x47: {  	_ =	shalt  }
0x48: {  	_ =	shalt  }
0x49: {  	_ =	shalt  }
0x4a: {  	_ =	shalt  }
0x4b: {  	_ =	shalt  }
0x4c: {  	_ =	shalt  }
0x4d: {  	_ =	shalt  }
0x4e: {  	_ =	shalt  }
0x4f: {  	_ =	shalt  }
0x50: {  	_ =	shalt  }
0x51: {  	_ =	shalt  }
0x52: {  	_ =	shalt  }
0x53: {  	_ =	shalt  }
0x54: {  	_ =	shalt  }
0x55: {  	_ =	shalt  }
0x56: {  	_ =	shalt  }
0x57: {  	_ =	shalt  }
0x58: {  	_ =	shalt  }
0x59: {  	_ =	shalt  }
0x5a: {  	_ =	shalt  }
0x5b: {  	_ =	shalt  }
0x5c: {  	_ =	shalt  }
0x5d: {  	_ =	shalt  }
0x5e: {  	_ =	shalt  }
0x5f: {  	_ =	shalt  }
0x60: {  	_ =	shalt  }
0x61: {  	_ =	shalt  }
0x62: {  	_ =	shalt  }
0x63: {  	_ =	shalt  }
0x64: {  	_ =	shalt  }
0x65: {  	_ =	shalt  }
0x66: {  	_ =	shalt  }
0x67: {  	_ =	shalt  }
0x68: {  	_ =	shalt  }
0x69: {  	_ =	shalt  }
0x6a: {  	_ =	shalt  }
0x6b: {  	_ =	shalt  }
0x6c: {  	_ =	shalt  }
0x6d: {  	_ =	shalt  }
0x6e: {  	_ =	shalt  }
0x6f: {  	_ =	shalt  }
0x70: {  	_ =	shalt  }
0x71: {  	_ =	shalt  }
0x72: {  	_ =	shalt  }
0x73: {  	_ =	shalt  }
0x74: {  	_ =	shalt  }
0x75: {  	_ =	shalt  }
0x76: {  	_ =	shalt  }
0x77: {  	_ =	shalt  }
0x78: {  	_ =	shalt  }
0x79: {  	_ =	shalt  }
0x7a: {  	_ =	shalt  }
0x7b: {  	_ =	shalt  }
0x7c: {  	_ =	shalt  }
0x7d: {  	_ =	shalt  }
0x7e: {  	_ =	shalt  }
0x7f: {  	_ =	shalt  }
0x80: {  	_ =	shalt  }
0x81: {  	_ =	shalt  }
0x82: {  	_ =	shalt  }
0x83: {  	_ =	shalt  }
0x84: {  	_ =	shalt  }
0x85: {  	_ =	shalt  }
0x86: {  	_ =	shalt  }
0x87: {  	_ =	shalt  }
.Lfunc_end0:
.L_simem_size_0:
called_computation.1_lowered:
.L_overlay_start_0:
0x88: {  	s2 =	sld [smem:$0x3FD9]  }
0x89: {  	s3 =	sld [smem:$0x3FFE];
	_ =	sdelay $0x1  }
0x8a: {  	s1 =	srdreg.scid  }
0x8b: {  	s0 =	sand.u32 $0x1, s1  }
0x8c: {  	s16 =	sshll.u32 s0, $0xA;
	s2 =	sadd.s32 s3, s2  }
0x8d: {  	s2 =	sadd.s32 s2, s16  }
0x8e: {  	[smem:$0x3FC2] =	sst s2  }
0x8f: {  	_ = 	snop  }
0x90: {  	(tm) =	ssettm $0x1  }
0x91: {  	s17 =	sld [smem:$0x3FFB];
	_ =	sdelay $0x3  }
0x92: {  	_ =	strace s17  }
0x93: {  	s2 =	sld [smem:$0x3FFC];
	_ =	sdelay $0x3  }
0x94: {  	_ =	strace s2  }
0x95: {  	s2 =	sld [smem:$0x3FFD];
	_ =	sdelay $0x3  }
0x96: {  	_ =	strace s2  }
0x97: {  	_ =	strace $0x8FFFFFFF  }
0x98: {  	s18 =	sld [smem:$0x3FDB];
	_ =	sdelay $0x1  }
0x99: {  	s19 =	simm.s32 $_scs_section_size  }
0x9a: {  	s4 =	simm.s32 $_size__tile_overlayer_lowered;
	s5 =	simm.s32 $_tile_overlayer_lowered  }
0x9b: {  	s22 =	simm.s32 $0x1BFF;
	s21 =	sshll.u32 s5, $0x1;
	s2 =	sadd.s32 s19, s18  }
0x9c: {  	s6 =	simm.s32 $0x0;
	s20 =	sshll.u32 s4, $0x1;
	s4 =	sadd.s32 s21, s2  }
0x9d: {  	[timem:s6], [sflag:s22] =	dma.local [hbm:s4], s20  }
0x9e: {  	_ =	swait.ge [sflag:s22], s20  }
0x9f: {  	s3 =	ssub.s32 $0x0, s20;
	[sflag:s22] =	ssyncset.done $0x0  }
0xa0: {  	[sflag:s22] =	ssyncadd.s32 s3;
	_ =	sdelay $0x1  }
0xa1: {  	s23 =	simm.s32 $0x1B8B  }
0xa2: {  	_ =	swait.ge [sflag:s23], $0x1  }
0xa3: {  	[sflag:s23] =	ssyncset.done $0x0  }
0xa4: {  	s25 =	simm.s32 $0x1B8E;
	s24 =	sld [smem:$0x3FFE];
	[sflag:s23] =	ssyncadd.s32 $0xFFFFFFFF  }
0xa5: {  	s26 =	simm.s32 $execute0_lowered;
	[smem:$0x3FD2] =	sst s25  }
0xa6: {  	s4 =	sshll.u32 s26, $0x1;
	_ =	strace $0x80000049;
	[dreg:$0x1] =	wrdreg $0xFFFFFFFF  }
0xa7: {  	s28 =	simm.s32 $_size_execute0_lowered;
	s2 =	sadd.s32 s2, s4;
	[dreg:$0x0] =	wrdreg $0x0  }
0xa8: {  	s4 =	sshll.u32 s28, $0x1;
	[dreg:$0x2] =	wrdreg s2  }
0xa9: {  	[dreg:$0x3] =	wrdreg s4  }
0xaa: {  	[dreg:$0x4] =	wrdreg $0xC0  }
0xab: {  	_ =	task [dreg:s6], $0x5FFFF  }
0xac: {  	[dreg:$0x1] =	wrdreg $0xFFFFFFFF  }
0xad: {  	[dreg:$0x0] =	wrdreg $0x60  }
0xae: {  	[dreg:$0x2] =	wrdreg s24  }
0xaf: {  	[dreg:$0x3] =	wrdreg $0x98000  }
0xb0: {  	[dreg:$0x4] =	wrdreg $0x9  }
0xb1: {  	_ =	task.clear_ibuf [dreg:s6], $0x5FFFF;
	_ =	strace $0x90000049  }
0xb2: {  	s29 =	simm.s32 $0x9;
	_ =	strace $0x8000004B  }
0xb3: {  	_ =	swait.ge [sflag:s29], $0x1  }
0xb4: {  	[sflag:s29] =	ssyncadd.s32 $0xFFFFFFFF  }
0xb5: {  	_ =	strace $0x9000004B  }
0xb6: {  	_ =	sfence  }
0xb7: {  	s30 =	sld [smem:$0x0];
	_ =	sdelay $0x2  }
0xb8: {  	s31 =	sshll.u32 s1, $0xD;
	s1 =	sshrl.u32 s1, $0x2  }
0xb9: {  	s3 =	sand.u32 $0x4000, s31;
	s1 =	sadd.s32 s1, s30  }
0xba: {  	s0 =	sor.u32 s3, s0;
	s1 =	sshll.u32 s1, $0x11  }
0xbb: {  	s0 =	sor.u32 s1, s0  }
0xbc: {  	s0 =	sadd.s32 $0x8F2B, s0  }
0xbd: {  	[sflag:s0] =	ssyncadd.remote.s32 $0x1  }
0xbe: {  	_ =	sfence.sel $0xFFFF  }
0xbf: {  	[dreg:$0x0] =	wrdreg $0xFFFFFFFF;
	(pc) =	sbr.abs _section_cstart, $3  }
0xc0: {  	[dreg:$0x1] =	wrdreg $0xFFFFFFFF  }
0xc1: {  	_ =	task.clear_ibuf [dreg:s6], $0x2FFFF;
	_ =	strace $0x9FFFFFFF  }
0xc2: {  	(tm) =	ssettm $0x7FFFFFFF  }
0xc3: {  	_ =	shalt  }
tec
execute0_lowered:
.L_overlay_start_1:
0x0: {  	(tag) =	ssettag $0x1  }
0x1: {  	s0 =	rddreg [dreg:$0x0];
	s1 =	srdreg.scid  }
0x2: {  	s2 =	rddreg [dreg:$0x1];
	s9 =	stileid.u32  }
0x3: {  	s4 =	simm.s32 $0x0;
	s28 =	simm.s32 $0x2;
	s29 =	simm.s32 $0x1080  }
0x4: {  	s30 =	simm.s32 $0x4;
	s31 =	simm.s32 $0x180;
	s10 =	simm.s32 $0x6  }
0x5: {  	s11 =	simm.s32 $0x1C00;
	s12 =	simm.s32 $0x0;
	s5 =	smul.u32 $0x14000, s9  }
0x6: {  	s1 =	sand.u32 $0x1, s1;
	[smem:$0x7FF] =	sst s4;
	s8 =	smul.u32 $0x50000, s9  }
0x7: {  	s4 =	sadd.s32 $0x3F000, s0;
	s6 =	sadd.s32 $0x16A00, s0;
	s3 =	smul.u32 $0x140000, s1  }
0x8: {  	s7 =	ssub.s32 $0x2, s1;
	s1 =	sshll.u32 s1, $0x4;
	s18 =	sshrl.u32 s8, $0x2  }
0x9: {  	_ =	strace $0x8000004A;
	s1 =	sor.u32 s9, s1;
	s9 =	sadd.s32 s18, s2  }
0xa: {  	s17 =	sshrl.u32 s7, $0x1;
	s8 =	simm.s32 $0x200;
	s20 =	sadd.s32 $0x2800, s9  }
0xb: {  	s3 =	sadd.s32 s5, s3;
	s21 =	sadd.s32 $0x5000, s9;
	[dreg:$0x5] =	wrdreg s20  }
0xc: {  	s5 =	sadd.s32 $0x2B000, s0;
	s22 =	sadd.s32 $0x7800, s9;
	[dreg:$0x6] =	wrdreg s21  }
0xd: {  	s18 =	simm.s32 $0x2000;
	s23 =	sadd.s32 $0xA000, s9;
	[dreg:$0x7] =	wrdreg s22  }
0xe: {  	s3 =	sshrl.u32 s3, $0x3;
	s24 =	sadd.s32 $0xC800, s9;
	[dreg:$0x8] =	wrdreg s23  }
0xf: {  	s25 =	sadd.s32 $0xF000, s9;
	s26 =	sadd.s32 $0x11800, s9;
	[dreg:$0x9] =	wrdreg s24  }
0x10: {  	s0 =	sadd.s32 s3, s0;
	s3 =	ssub.s32 s7, s17;
	[dreg:$0xa] =	wrdreg s25  }
0x11: {  	s7 =	smul.u32 $0x5000, s1;
	[dreg:$0xb] =	wrdreg s26;
	s20 =	simm.s32 $0x1000  }
.Ltmp0:
0x12: {  	s21 =	simm.s32 $0x50;
	s22 =	simm.s32 $0x80;
	(pc) =	sbr.rel .LBB2_1-.Ltmp0, $4  }
0x13: {  	s23 =	simm.s32 $0x4800;
	s24 =	simm.s32 $0x1;
	s25 =	simm.s32 $0x100  }
0x14: {  	s26 =	simm.s32 $0x7000;
	s1 =	simm.s32 $0x1100;
	s0 =	sadd.s32 $0x66200, s0  }
0x15: {  	s19 =	smax.u32 s3, $0x1;
	s3 =	simm.s32 $0x5;
	[dreg:$0x3] =	wrdreg s0  }
0x16: {  	v0 =	vimm.f32 $0.0e+00;
	[dreg:$0x4] =	wrdreg s19;
	s19 =	simm.s32 $0x7;
	s0 =	simm.s32 $0x3  }
.LBB2_8:
0x17: {  	s13 =	stileid.u32  }
0x18: {  	[bflag:$0x0] =	sbarrier.arrive $0xFFFF;
	s13 =	sshll.u32 s13, $0x6  }
0x19: {  	s14 =	sshrl.u32 s9, $0x3;
	s15 =	rddreg [dreg:$0x3];
	s13 =	sor.u32 $0x1C07, s13  }
0x1a: {  	[hbm:s15], [sflag:s13] =	dma.local [spmem:s14], $0x2800  }
0x1b: {  	_ =	swait.ge [sflag:s19], $0x2800  }
0x1c: {  	s12 =	sadd.s32 $0x1, s12;
	s17 =	rddreg [dreg:$0x4]  }
0x1d: {  	p0 =	sne.s32 s12, s17  }
.Ltmp1:
0x1e: {  	_ = 	snop;
	(pc) =	sbr.rel @!p0 .LBB2_9-.Ltmp1, $3  }
0x1f: {  	_ =	sdelay $0x1  }
0x20: {  	[sflag:s19] =	ssyncset.done $0x0  }
0x21: {  	[sflag:s19] =	ssyncadd.s32 $0xFFFFD800  }
.LBB2_1:
0x22: {  	s14 =	simm.s32 $0x0  }
0x23: {  	s13 =	sand.u32 $0xFE00, s14  }
0x24: {  	s14 =	sand.u32 $0x70, s14;
	s15 =	sshrl.u32 s13, $0x2  }
0x25: {  	s13 =	simm.s32 $0x40;
	s15 =	sor.u32 s14, s15;
	s14 =	simm.s32 $0x0  }
.LBB2_2:
0x26: {  	p0 =	sne.s32 s13, $0x9FC0  }
0x27: {  	[tilespmem:s15+$0x2000] =	vst v0;
	s14 =	sadd.s32 $0x10, s14;
	s15 =	smov.u32 s13;
	s13 =	sadd.s32 $0x40, s13  }
.Ltmp2:
0x28: {  	(pc) =	sbr.rel @p0 .LBB2_2-.Ltmp2, $4  }
0x29: {  	_ = 	snop  }
0x2a: {  	s15 =	sand.u32 $0xFE00, s15  }
0x2b: {  	s16 =	sand.u32 $0x70, s14;
	s15 =	sshrl.u32 s15, $0x2  }
0x2c: {  	s15 =	sor.u32 s16, s15  }
0x2d: {  	[tilespmem:s15+$0x2000] =	vst v0  }
0x2e: {  	[spmem:s9] =	stream.linear.scatter [tilespmem:s18], [sflag:$0x7], $0x2800, $0x38;
	[tilespmem:$0x1D800] =	vst v63  }
0x2f: {  	_ =	swait.ge [sflag:s19], $0x2800  }
0x30: {  	[sflag:s19] =	ssyncset.done $0x0  }
0x31: {  	s13 =	rddreg [dreg:$0x5];
	[sflag:s19] =	ssyncadd.s32 $0xFFFFD800  }
0x32: {  	[spmem:s13] =	stream.linear.scatter [tilespmem:s18], [sflag:$0x7], $0x2800, $0x38;
	[tilespmem:$0x1D800] =	vst v63  }
0x33: {  	_ =	swait.ge [sflag:s19], $0x2800  }
0x34: {  	[sflag:s19] =	ssyncset.done $0x0  }
0x35: {  	s16 =	rddreg [dreg:$0x6];
	[sflag:s19] =	ssyncadd.s32 $0xFFFFD800  }
0x36: {  	[spmem:s16] =	stream.linear.scatter [tilespmem:s18], [sflag:$0x7], $0x2800, $0x38;
	[tilespmem:$0x1D800] =	vst v63  }
0x37: {  	_ =	swait.ge [sflag:s19], $0x2800  }
0x38: {  	[sflag:s19] =	ssyncset.done $0x0  }
0x39: {  	s17 =	rddreg [dreg:$0x7];
	[sflag:s19] =	ssyncadd.s32 $0xFFFFD800  }
0x3a: {  	[spmem:s17] =	stream.linear.scatter [tilespmem:s18], [sflag:$0x7], $0x2800, $0x38;
	[tilespmem:$0x1D800] =	vst v63  }
0x3b: {  	_ =	swait.ge [sflag:s19], $0x2800  }
0x3c: {  	[sflag:s19] =	ssyncset.done $0x0  }
0x3d: {  	s14 =	rddreg [dreg:$0x8];
	[sflag:s19] =	ssyncadd.s32 $0xFFFFD800  }
0x3e: {  	[spmem:s14] =	stream.linear.scatter [tilespmem:s18], [sflag:$0x7], $0x2800, $0x38;
	[tilespmem:$0x1D800] =	vst v63  }
0x3f: {  	_ =	swait.ge [sflag:s19], $0x2800  }
0x40: {  	[sflag:s19] =	ssyncset.done $0x0  }
0x41: {  	s15 =	rddreg [dreg:$0x9];
	[sflag:s19] =	ssyncadd.s32 $0xFFFFD800  }
0x42: {  	[spmem:s15] =	stream.linear.scatter [tilespmem:s18], [sflag:$0x7], $0x2800, $0x38;
	[tilespmem:$0x1D800] =	vst v63  }
0x43: {  	_ =	swait.ge [sflag:s19], $0x2800  }
0x44: {  	[sflag:s19] =	ssyncset.done $0x0  }
0x45: {  	s16 =	rddreg [dreg:$0xa];
	[sflag:s19] =	ssyncadd.s32 $0xFFFFD800  }
0x46: {  	[spmem:s16] =	stream.linear.scatter [tilespmem:s18], [sflag:$0x7], $0x2800, $0x38;
	[tilespmem:$0x1D800] =	vst v63  }
0x47: {  	_ =	swait.ge [sflag:s19], $0x2800  }
0x48: {  	[sflag:s19] =	ssyncset.done $0x0  }
0x49: {  	s17 =	rddreg [dreg:$0xb];
	[sflag:s19] =	ssyncadd.s32 $0xFFFFD800  }
0x4a: {  	[spmem:s17] =	stream.linear.scatter [tilespmem:s18], [sflag:$0x7], $0x2800, $0x38;
	[tilespmem:$0x1D800] =	vst v63  }
.Ltmp3:
0x4b: {  	_ =	swait.ge [sflag:s19], $0x2800;
	(pc) =	sbr.rel .LBB2_4-.Ltmp3, $4  }
0x4c: {  	[sflag:s19] =	ssyncset.done $0x0  }
0x4d: {  	[sflag:s19] =	ssyncadd.s32 $0xFFFFD800  }
0x4e: {  	[bflag:$0x0] =	sbarrier.arrive $0xFFFF  }
0x4f: {  	s13 =	simm.s32 $0x0;
	s14 =	simm.s32 $0x0  }
.LBB2_7:
0x50: {  	_ =	swait.ge [sflag:s24], $0x2800  }
0x51: {  	[sflag:s24] =	ssyncset.done $0x0  }
0x52: {  	s14 =	sadd.s32 $0x1, s14;
	[sflag:s24] =	ssyncadd.s32 $0xFFFFD800  }
0x53: {  	[spmem:s2] =	stream.indirect.scatter.add.f32 [tilespmem:s18], [sflag:$0x4], $0x80, s11, s21, $0xb8;
	[tilespmem:$0x1D800] =	vst v63  }
0x54: {  	p0 =	sne.s32 s14, $0x5;
	_ =	swait.ge [sflag:s10], $0x2800  }
.Ltmp4:
0x55: {  	[sflag:s10] =	ssyncset.done $0x0;
	(pc) =	sbr.rel @!p0 .LBB2_8-.Ltmp4, $4  }
0x56: {  	[sflag:s10] =	ssyncadd.s32 $0xFFFFD800  }
0x57: {  	_ =	swait.ge [sflag:s30], $0x2800  }
0x58: {  	[sflag:s30] =	ssyncset.done $0x0  }
0x59: {  	[sflag:s30] =	ssyncadd.s32 $0xFFFFD800  }
.LBB2_4:
0x5a: {  	s15 =	sshll.u32 s14, $0xC  }
0x5b: {  	s15 =	sadd.s32 s7, s15  }
0x5c: {  	s15 =	sshrl.u32 s15, $0x3  }
0x5d: {  	s16 =	sadd.s32 s5, s15  }
0x5e: {  	[tilespmem:s13], [sflag:$0x7] =	stream.linear.gather [hbm4b:s16+s13], $0xC80, $0x38;
	[tilespmem:$0x1D800] =	vst v63  }
0x5f: {  	_ =	swait.ge [sflag:s19], $0xC80  }
0x60: {  	[sflag:s19] =	ssyncset.done $0x0  }
0x61: {  	s15 =	sadd.s32 s6, s15;
	[sflag:s19] =	ssyncadd.s32 $0xFFFFF380  }
0x62: {  	[tilespmem:s20], [sflag:$0x7] =	stream.linear.gather [hbm4b:s15+s13], $0xC80, $0x38;
	[tilespmem:$0x1D800] =	vst v63  }
0x63: {  	_ =	swait.ge [sflag:s19], $0xC80  }
0x64: {  	[sflag:s19] =	ssyncset.done $0x0  }
0x65: {  	[sflag:s19] =	ssyncadd.s32 $0xFFFFF380  }
0x66: {  	[tilespmem:s18], [sflag:$0x1] =	stream.indirect.gather [hbm4b:s4+s21], $0x80, s13, s21, $0xb8;
	[tilespmem:$0x1D800] =	vst v63  }
0x67: {  	_ = 	snop  }
0x68: {  	[tilespmem:s23], [sflag:$0x2] =	stream.indirect.gather [hbm4b:s4+s21], $0x80, s22, s21, $0xb8;
	[tilespmem:$0x1D800] =	vst v63  }
0x69: {  	_ =	swait.ge [sflag:s24], $0x2800  }
0x6a: {  	[sflag:s24] =	ssyncset.done $0x0  }
0x6b: {  	[sflag:s24] =	ssyncadd.s32 $0xFFFFD800  }
0x6c: {  	[spmem:s2] =	stream.indirect.scatter.add.f32 [tilespmem:s18], [sflag:$0x4], $0x80, s20, s21, $0xb8;
	[tilespmem:$0x1D800] =	vst v63  }
0x6d: {  	_ = 	snop  }
0x6e: {  	[tilespmem:s26], [sflag:$0x3] =	stream.indirect.gather [hbm4b:s4+s21], $0x80, s25, s21, $0xb8;
	[tilespmem:$0x1D800] =	vst v63  }
0x6f: {  	_ =	swait.ge [sflag:s28], $0x2800  }
0x70: {  	[sflag:s28] =	ssyncset.done $0x0  }
0x71: {  	[sflag:s28] =	ssyncadd.s32 $0xFFFFD800  }
0x72: {  	[spmem:s2] =	stream.indirect.scatter.add.f32 [tilespmem:s23], [sflag:$0x5], $0x80, s29, s21, $0xb8;
	[tilespmem:$0x1D800] =	vst v63  }
0x73: {  	_ =	swait.ge [sflag:s30], $0x2800  }
0x74: {  	[sflag:s30] =	ssyncset.done $0x0  }
0x75: {  	[sflag:s30] =	ssyncadd.s32 $0xFFFFD800  }
0x76: {  	[tilespmem:s18], [sflag:$0x1] =	stream.indirect.gather [hbm4b:s4+s21], $0x80, s31, s21, $0xb8;
	[tilespmem:$0x1D800] =	vst v63  }
0x77: {  	_ =	swait.ge [sflag:s0], $0x2800  }
0x78: {  	[sflag:s0] =	ssyncset.done $0x0  }
0x79: {  	[sflag:s0] =	ssyncadd.s32 $0xFFFFD800  }
0x7a: {  	[spmem:s2] =	stream.indirect.scatter.add.f32 [tilespmem:s26], [sflag:$0x6], $0x80, s1, s21, $0xb8;
	[tilespmem:$0x1D800] =	vst v63  }
0x7b: {  	_ =	swait.ge [sflag:s3], $0x2800  }
0x7c: {  	[sflag:s3] =	ssyncset.done $0x0  }
0x7d: {  	s15 =	simm.s32 $0x0;
	[sflag:s3] =	ssyncadd.s32 $0xFFFFD800  }
0x7e: {  	[tilespmem:s23], [sflag:$0x2] =	stream.indirect.gather [hbm4b:s4+s21], $0x80, s8, s21, $0xb8;
	[tilespmem:$0x1D800] =	vst v63  }
.LBB2_5:
0x7f: {  	_ =	swait.ge [sflag:s24], $0x2800  }
0x80: {  	s16 =	sshra.s32 s15, $0x2;
	[sflag:s24] =	ssyncset.done $0x0  }
0x81: {  	s17 =	sadd.s32 $0x1180, s16;
	[sflag:s24] =	ssyncadd.s32 $0xFFFFD800  }
0x82: {  	[spmem:s2] =	stream.indirect.scatter.add.f32 [tilespmem:s18], [sflag:$0x4], $0x80, s17, s21, $0xb8;
	[tilespmem:$0x1D800] =	vst v63  }
0x83: {  	_ =	swait.ge [sflag:s10], $0x2800  }
0x84: {  	[sflag:s10] =	ssyncset.done $0x0  }
0x85: {  	s17 =	sadd.s32 $0x280, s16;
	[sflag:s10] =	ssyncadd.s32 $0xFFFFD800  }
0x86: {  	[tilespmem:s26], [sflag:$0x3] =	stream.indirect.gather [hbm4b:s4+s21], $0x80, s17, s21, $0xb8;
	[tilespmem:$0x1D800] =	vst v63  }
0x87: {  	_ =	swait.ge [sflag:s28], $0x2800  }
0x88: {  	[sflag:s28] =	ssyncset.done $0x0  }
0x89: {  	s17 =	sadd.s32 $0x1200, s16;
	[sflag:s28] =	ssyncadd.s32 $0xFFFFD800  }
0x8a: {  	[spmem:s2] =	stream.indirect.scatter.add.f32 [tilespmem:s23], [sflag:$0x5], $0x80, s17, s21, $0xb8;
	[tilespmem:$0x1D800] =	vst v63  }
0x8b: {  	_ =	swait.ge [sflag:s30], $0x2800  }
0x8c: {  	[sflag:s30] =	ssyncset.done $0x0  }
0x8d: {  	s17 =	sadd.s32 $0x300, s16;
	[sflag:s30] =	ssyncadd.s32 $0xFFFFD800  }
0x8e: {  	[tilespmem:s18], [sflag:$0x1] =	stream.indirect.gather [hbm4b:s4+s21], $0x80, s17, s21, $0xb8;
	[tilespmem:$0x1D800] =	vst v63  }
0x8f: {  	_ =	swait.ge [sflag:s0], $0x2800  }
0x90: {  	p0 =	seq.s32 s15, $0x2400;
	[sflag:s0] =	ssyncset.done $0x0  }
.Ltmp5:
0x91: {  	s17 =	sadd.s32 $0x1280, s16;
	[sflag:s0] =	ssyncadd.s32 $0xFFFFD800;
	(pc) =	sbr.rel @p0 .LBB2_7-.Ltmp5, $4  }
0x92: {  	[spmem:s2] =	stream.indirect.scatter.add.f32 [tilespmem:s26], [sflag:$0x6], $0x80, s17, s21, $0xb8;
	[tilespmem:$0x1D800] =	vst v63  }
0x93: {  	_ =	swait.ge [sflag:s3], $0x2800  }
0x94: {  	[sflag:s3] =	ssyncset.done $0x0  }
0x95: {  	[sflag:s3] =	ssyncadd.s32 $0xFFFFD800  }
.Ltmp6:
0x96: {  	(pc) =	sbr.rel .LBB2_5-.Ltmp6, $3  }
0x97: {  	_ =	sdelay $0x1  }
0x98: {  	s16 =	sadd.s32 $0x380, s16;
	s15 =	sadd.s32 $0x600, s15  }
0x99: {  	[tilespmem:s23], [sflag:$0x2] =	stream.indirect.gather [hbm4b:s4+s21], $0x80, s16, s21, $0xb8;
	[tilespmem:$0x1D800] =	vst v63  }
.LBB2_9:
0x9a: {  	_ =	sfence.sel $0x180000  }
0x9b: {  	[bflag:$0x0] =	sbarrier.arrive $0xFFFF  }
0x9c: {  	_ =	strace $0x9000004A  }
0x9d: {  	s0 =	stileid.u32;
	[bflag:$0x2] =	sbarrier.arrive $0xFFFF  }
0x9e: {  	p0 =	sne.s32 s0, $0x0;
	s0 =	rddreg [dreg:$0x2]  }
0x9f: {  	s0 =	sadd.s32 @!p0 $0x100000, s0  }
0xa0: {  	[sflag:s0] =	ssyncadd.tile.s32 @!p0 $0x1;
	_ =	shalt  }
.Lfunc_end2:
_tile_overlayer_lowered:
.L_overlay_start_2:
0xa1: {  	(tag) =	ssettag $0x2  }
0xa2: {  	s0 =	rddreg [dreg:$0x0];
	s2 =	stileid.u32  }
0xa3: {  	s1 =	rddreg [dreg:$0x1];
	p0 =	sne.s32 s2, $0x0  }
0xa4: {  	s3 =	rddreg [dreg:$0x2];
	[bflag:$0x3] =	sbarrier.arrive $0xFFFF;
	s2 =	simm.s32 @!p0 $0x1C07  }
0xa5: {  	[timem:s3], [sflag:s2] =	dma.local @!p0 [hbm:s0], s1  }
0xa6: {  	s0 =	simm.s32 @!p0 $0x7  }
0xa7: {  	_ =	swait.ge @!p0 [sflag:s0], s1  }
0xa8: {  	s1 =	ssub.s32 @!p0 $0x0, s1;
	[sflag:s0] =	ssyncset.done @!p0 $0x0  }
0xa9: {  	[sflag:s0] =	ssyncadd.s32 @!p0 s1  }
0xaa: {  	[bflag:$0x3] =	sbarrier.arrive $0xFFFF  }
0xab: {  	_ =	shalt  }

// kernel: kernel.15.cloned.1.call-start
scs
__scs_entry_jumppad:
0x0: {  	(pc) =	sbr.rel $0x88, $3  }
0x1: {  	(tag) =	ssettag $0x0;
	lr =	simm.s32 $0x1  }
0x2: {  	[smem:$0x3F9B] =	sst lr;
	_ =	strace $0xD0000000  }
0x3: {  	_ = 	snop  }
0x4: {  	_ = 	snop  }
0x5: {  	_ = 	snop  }
0x6: {  	_ = 	snop  }
0x7: {  	_ = 	snop  }
__scs_overlays_trampoline_lowered:
0x8: {  	[smem:$0x3FAA] =	sst s0  }
0x9: {  	[smem:$0x3FAB] =	sst s1  }
0xa: {  	[smem:$0x3FAC] =	sst s2  }
0xb: {  	[smem:$0x3FAD] =	sst s3  }
0xc: {  	[smem:$0x3FAE] =	sst s4  }
0xd: {  	[smem:$0x3FAF] =	sst s5  }
0xe: {  	[smem:$0x3FB0] =	sst s6  }
0xf: {  	[smem:$0x3FB1] =	sst s7  }
0x10: {  	[smem:$0x3FB2] =	sst s8  }
0x11: {  	[smem:$0x3FB3] =	sst s9;
	s0 =	simm.s32 @!p0 $0x0  }
0x12: {  	s1 =	sld [smem:$0x3F99];
	s0 =	simm.s32 @p0 $0x1  }
0x13: {  	[smem:$0x3FB4] =	sst s0;
	s0 =	simm.s32 @!p1 $0x0  }
0x14: {  	s2 =	sld [smem:$0x3F98];
	s0 =	simm.s32 @p1 $0x1  }
0x15: {  	[smem:$0x3FB5] =	sst s0;
	s0 =	simm.s32 @!p2 $0x0  }
0x16: {  	s3 =	sld [smem:$0x3FDB];
	s0 =	simm.s32 @p2 $0x1  }
0x17: {  	s4 =	simm.s32 $0x1BF5;
	[smem:$0x3FB7] =	sst s0  }
0x18: {  	s0 =	sld [smem:$0x3F9A];
	_ =	swait.ge [sflag:s4], $0x0  }
0x19: {  	s7 =	sld [smem:$0x3F9B]  }
0x1a: {  	s8 =	sadd.s32 $0xFFFFE003, lr  }
0x1b: {  	s9 =	sadd.s32 $0xFFFFFEF7, lr;
	s5 =	simm.s32 $0xFFFFFFFF;
	p2 =	slt.u32 s8, $0xFFFFF086  }
0x1c: {  	p1 =	slt.u32 s9, $0xF7A;
	s5 =	simm.s32 @!p2 $0x0  }
0x1d: {  	s5 =	simm.s32 @p1 $0x1;
	p0 =	seq.s32 s7, s2  }
0x1e: {  	s7 =	smul.u32 @!p0 $0xF7A, s2;
	p2 =	seq.s32 @!p0 s5, $0x0  }
0x1f: {  	s9 =	smul.u32 $0xF7A, s1;
	s8 =	simm.s32 @!p0 $0x1BF5;
	p2 =	por !p2, p0  }
0x20: {  	[sflag:s8] =	ssyncset.s32 @!p0 $0xFFFFF086;
	s6 =	sadd.s32 @!p0 s3, s7;
	s7 =	simm.s32 @!p0 $0x108  }
0x21: {  	s3 =	sadd.s32 s3, s9;
	s6 =	sadd.s32 @!p0 $0x88, s6;
	s7 =	simm.s32 @p2 $0x1082  }
0x22: {  	[simem:s7], [sflag:s8] =	dma.local @!p0 [hbm:s6], $0xF7A  }
0x23: {  	s9 =	sor.u32 $0xD0000000, s2;
	s6 =	simm.s32 $0x108;
	_ =	swait.ge @!p0 [sflag:s8], $0x0  }
0x24: {  	s3 =	sadd.s32 $0x88, s3;
	s6 =	simm.s32 @!p1 $0x1082;
	[sflag:s4] =	ssyncset.s32 $0xFFFFF086  }
0x25: {  	[simem:s6], [sflag:s4] =	dma.local [hbm:s3], $0xF7A  }
0x26: {  	[smem:$0x3F9B] =	sst s1;
	(tag) =	ssettag s2;
	_ =	strace s9  }
0x27: {  	s1 =	sld [smem:$0x3FAB]  }
0x28: {  	s2 =	sld [smem:$0x3FAC]  }
0x29: {  	s4 =	sld [smem:$0x3FAE]  }
0x2a: {  	p0 =	seq.s32 s5, $0x0;
	s5 =	sld [smem:$0x3FAF]  }
0x2b: {  	s6 =	sld [smem:$0x3FB0]  }
0x2c: {  	s7 =	sld [smem:$0x3FB1]  }
0x2d: {  	s3 =	simm.s32 $0x108;
	s8 =	sld [smem:$0x3FB2]  }
0x2e: {  	s3 =	simm.s32 @!p0 $0x1082;
	s9 =	sld [smem:$0x3FB3]  }
0x2f: {  	lr =	sadd.s32 s0, s3;
	s0 =	sld [smem:$0x3FAA]  }
0x30: {  	s3 =	sld [smem:$0x3FAD]  }
0x31: {  	[smem:$0x3FB6] =	sst s10  }
0x32: {  	s10 =	sld [smem:$0x3FB4];
	_ =	sdelay $0x3  }
0x33: {  	p0 =	seq.s32 s10, $0x1;
	s10 =	sld [smem:$0x3FB6];
	_ =	sdelay $0x3  }
0x34: {  	[smem:$0x3FB6] =	sst s10  }
0x35: {  	s10 =	sld [smem:$0x3FB5];
	_ =	sdelay $0x3  }
0x36: {  	p1 =	seq.s32 s10, $0x1;
	s10 =	sld [smem:$0x3FB6];
	_ =	sdelay $0x3  }
0x37: {  	[smem:$0x3FB6] =	sst s10  }
0x38: {  	s10 =	sld [smem:$0x3FB7]  }
0x39: {  	_ = 	snop;
	(pc) =	sbr.ind lr, $3  }
0x3a: {  	_ = 	snop  }
0x3b: {  	_ = 	snop  }
0x3c: {  	p2 =	seq.s32 s10, $0x1;
	s10 =	sld [smem:$0x3FB6]  }
0x3d: {  	_ =	shalt  }
0x3e: {  	_ =	shalt  }
0x3f: {  	_ =	shalt  }
0x40: {  	_ =	shalt  }
0x41: {  	_ =	shalt  }
0x42: {  	_ =	shalt  }
0x43: {  	_ =	shalt  }
0x44: {  	_ =	shalt  }
0x45: {  	_ =	shalt  }
0x46: {  	_ =	shalt  }
0x47: {  	_ =	shalt  }
0x48: {  	_ =	shalt  }
0x49: {  	_ =	shalt  }
0x4a: {  	_ =	shalt  }
0x4b: {  	_ =	shalt  }
0x4c: {  	_ =	shalt  }
0x4d: {  	_ =	shalt  }
0x4e: {  	_ =	shalt  }
0x4f: {  	_ =	shalt  }
0x50: {  	_ =	shalt  }
0x51: {  	_ =	shalt  }
0x52: {  	_ =	shalt  }
0x53: {  	_ =	shalt  }
0x54: {  	_ =	shalt  }
0x55: {  	_ =	shalt  }
0x56: {  	_ =	shalt  }
0x57: {  	_ =	shalt  }
0x58: {  	_ =	shalt  }
0x59: {  	_ =	shalt  }
0x5a: {  	_ =	shalt  }
0x5b: {  	_ =	shalt  }
0x5c: {  	_ =	shalt  }
0x5d: {  	_ =	shalt  }
0x5e: {  	_ =	shalt  }
0x5f: {  	_ =	shalt  }
0x60: {  	_ =	shalt  }
0x61: {  	_ =	shalt  }
0x62: {  	_ =	shalt  }
0x63: {  	_ =	shalt  }
0x64: {  	_ =	shalt  }
0x65: {  	_ =	shalt  }
0x66: {  	_ =	shalt  }
0x67: {  	_ =	shalt  }
0x68: {  	_ =	shalt  }
0x69: {  	_ =	shalt  }
0x6a: {  	_ =	shalt  }
0x6b: {  	_ =	shalt  }
0x6c: {  	_ =	shalt  }
0x6d: {  	_ =	shalt  }
0x6e: {  	_ =	shalt  }
0x6f: {  	_ =	shalt  }
0x70: {  	_ =	shalt  }
0x71: {  	_ =	shalt  }
0x72: {  	_ =	shalt  }
0x73: {  	_ =	shalt  }
0x74: {  	_ =	shalt  }
0x75: {  	_ =	shalt  }
0x76: {  	_ =	shalt  }
0x77: {  	_ =	shalt  }
0x78: {  	_ =	shalt  }
0x79: {  	_ =	shalt  }
0x7a: {  	_ =	shalt  }
0x7b: {  	_ =	shalt  }
0x7c: {  	_ =	shalt  }
0x7d: {  	_ =	shalt  }
0x7e: {  	_ =	shalt  }
0x7f: {  	_ =	shalt  }
0x80: {  	_ =	shalt  }
0x81: {  	_ =	shalt  }
0x82: {  	_ =	shalt  }
0x83: {  	_ =	shalt  }
0x84: {  	_ =	shalt  }
0x85: {  	_ =	shalt  }
0x86: {  	_ =	shalt  }
0x87: {  	_ =	shalt  }
.Lfunc_end0:
.L_simem_size_0:
called_computation.2_lowered:
.L_overlay_start_0:
0x88: {  	s2 =	sld [smem:$0x3FD9]  }
0x89: {  	s3 =	sld [smem:$0x3FFE];
	_ =	sdelay $0x1  }
0x8a: {  	s1 =	srdreg.scid  }
0x8b: {  	s0 =	sand.u32 $0x1, s1  }
0x8c: {  	s17 =	sshll.u32 s0, $0xA;
	s2 =	sadd.s32 s3, s2  }
0x8d: {  	s2 =	sadd.s32 s2, s17  }
0x8e: {  	[smem:$0x3FC2] =	sst s2  }
0x8f: {  	_ = 	snop  }
0x90: {  	s2 =	sld [smem:$0x3FD0];
	(tm) =	ssettm $0x1  }
0x91: {  	s18 =	sld [smem:$0x3FFB];
	_ =	sdelay $0x3  }
0x92: {  	_ =	strace s18  }
0x93: {  	s3 =	sld [smem:$0x3FFC];
	_ =	sdelay $0x3  }
0x94: {  	_ =	strace s3  }
0x95: {  	s3 =	sld [smem:$0x3FFD];
	_ =	sdelay $0x3  }
0x96: {  	_ =	strace s3  }
0x97: {  	_ =	strace $0x8FFFFFFF  }
0x98: {  	s19 =	sld [smem:$0x3FDB];
	_ =	sdelay $0x1  }
0x99: {  	s4 =	simm.s32 $_scs_section_size  }
0x9a: {  	s5 =	simm.s32 $_size__tile_overlayer_lowered;
	s6 =	simm.s32 $_tile_overlayer_lowered  }
0x9b: {  	s22 =	simm.s32 $0x1BFF;
	s21 =	sshll.u32 s6, $0x1;
	s3 =	sadd.s32 s4, s19  }
0x9c: {  	s7 =	simm.s32 $0x0;
	s20 =	sshll.u32 s5, $0x1;
	s5 =	sadd.s32 s21, s3  }
0x9d: {  	[timem:s7], [sflag:s22] =	dma.local [hbm:s5], s20  }
0x9e: {  	_ =	swait.ge [sflag:s22], s20  }
0x9f: {  	s4 =	ssub.s32 $0x0, s20;
	[sflag:s22] =	ssyncset.done $0x0  }
0xa0: {  	[sflag:s22] =	ssyncadd.s32 s4;
	_ =	sdelay $0x1  }
0xa1: {  	s23 =	simm.s32 $0x1B8B  }
0xa2: {  	_ =	swait.ge [sflag:s23], $0x1  }
0xa3: {  	[sflag:s23] =	ssyncset.done $0x0  }
0xa4: {  	s25 =	simm.s32 $0x1B8E;
	s24 =	sld [smem:$0x3FFE];
	[sflag:s23] =	ssyncadd.s32 $0xFFFFFFFF  }
0xa5: {  	s26 =	simm.s32 $execute0_lowered;
	[smem:$0x3FD2] =	sst s25  }
0xa6: {  	s5 =	sshll.u32 s26, $0x1;
	_ =	strace $0x8000004C;
	[dreg:$0x1] =	wrdreg $0xFFFFFFFF  }
0xa7: {  	s28 =	simm.s32 $_size_execute0_lowered;
	s3 =	sadd.s32 s3, s5;
	[dreg:$0x0] =	wrdreg $0x0  }
0xa8: {  	s5 =	sshll.u32 s28, $0x1;
	[dreg:$0x2] =	wrdreg s3  }
0xa9: {  	[dreg:$0x3] =	wrdreg s5  }
0xaa: {  	[dreg:$0x4] =	wrdreg $0xC0  }
0xab: {  	_ =	task [dreg:s7], $0x5FFFF  }
0xac: {  	[dreg:$0x1] =	wrdreg $0xFFFFFFFF  }
0xad: {  	[dreg:$0x0] =	wrdreg $0x60  }
0xae: {  	[dreg:$0x2] =	wrdreg s2  }
0xaf: {  	[dreg:$0x3] =	wrdreg s24  }
0xb0: {  	[dreg:$0x4] =	wrdreg $0x4BA00  }
0xb1: {  	[dreg:$0x5] =	wrdreg $0x9  }
0xb2: {  	_ =	task.clear_ibuf [dreg:s7], $0x6FFFF;
	_ =	strace $0x9000004C  }
0xb3: {  	s29 =	simm.s32 $0x9;
	_ =	strace $0x8000004E  }
0xb4: {  	_ =	swait.ge [sflag:s29], $0x1  }
0xb5: {  	[sflag:s29] =	ssyncadd.s32 $0xFFFFFFFF  }
0xb6: {  	_ =	strace $0x9000004E  }
0xb7: {  	_ =	sfence  }
0xb8: {  	s30 =	sld [smem:$0x0];
	_ =	sdelay $0x2  }
0xb9: {  	s31 =	sshll.u32 s1, $0xD;
	s1 =	sshrl.u32 s1, $0x2  }
0xba: {  	s3 =	sand.u32 $0x4000, s31;
	s1 =	sadd.s32 s1, s30  }
0xbb: {  	s0 =	sor.u32 s3, s0;
	s1 =	sshll.u32 s1, $0x11  }
0xbc: {  	s0 =	sor.u32 s1, s0  }
0xbd: {  	s0 =	sadd.s32 $0x8F2B, s0  }
0xbe: {  	[sflag:s0] =	ssyncadd.remote.s32 $0x1  }
0xbf: {  	_ =	sfence.sel $0xFFFF  }
0xc0: {  	[dreg:$0x0] =	wrdreg $0xFFFFFFFF;
	(pc) =	sbr.abs _section_cstart, $3  }
0xc1: {  	[dreg:$0x1] =	wrdreg $0xFFFFFFFF  }
0xc2: {  	_ =	task.clear_ibuf [dreg:s7], $0x2FFFF;
	_ =	strace $0x9FFFFFFF  }
0xc3: {  	(tm) =	ssettm $0x7FFFFFFF  }
tec
execute0_lowered:
.L_overlay_start_1:
0x0: {  	(tag) =	ssettag $0x1  }
0x1: {  	s0 =	rddreg [dreg:$0x0]  }
0x2: {  	s1 =	rddreg [dreg:$0x1];
	s2 =	srdreg.scid  }
0x3: {  	s3 =	rddreg [dreg:$0x2];
	s11 =	stileid.u32  }
0x4: {  	s5 =	simm.s32 $0x0;
	s18 =	simm.s32 $0xFA0;
	s19 =	simm.s32 $0x7  }
0x5: {  	s20 =	simm.s32 $0x7D0;
	s28 =	simm.s32 $0x2;
	s29 =	simm.s32 $0x820  }
0x6: {  	s30 =	simm.s32 $0x4;
	s31 =	simm.s32 $0xF0;
	s12 =	simm.s32 $0x0  }
0x7: {  	s2 =	sand.u32 $0x1, s2;
	s8 =	smul.u32 $0xA000, s11;
	[smem:$0x7FF] =	sst s5  }
0x8: {  	s5 =	sadd.s32 $0xCC00, s1;
	s6 =	sadd.s32 $0x2E00, s1;
	s10 =	smul.u32 $0x28000, s11  }
0x9: {  	s4 =	smul.u32 $0xA0000, s2;
	s7 =	ssub.s32 $0x2, s2;
	s2 =	sshll.u32 s2, $0x4  }
0xa: {  	_ =	strace $0x8000004D;
	s9 =	sshrl.u32 s7, $0x1;
	s2 =	sor.u32 s11, s2  }
0xb: {  	s16 =	sshrl.u32 s10, $0x2;
	s17 =	sadd.s32 s8, s3;
	s11 =	simm.s32 $0xF50  }
0xc: {  	s4 =	sadd.s32 s8, s4;
	s15 =	ssub.s32 s7, s9;
	s10 =	sadd.s32 s16, s3  }
0xd: {  	s7 =	smul.u32 $0x2710, s2;
	s2 =	simm.s32 $0x870;
	s21 =	sadd.s32 $0x2800, s10  }
0xe: {  	s8 =	simm.s32 $0x140;
	s22 =	sadd.s32 $0x3C00, s10;
	[dreg:$0x7] =	wrdreg s21  }
0xf: {  	s9 =	simm.s32 $0x6;
	s23 =	sadd.s32 $0x5000, s10;
	[dreg:$0x8] =	wrdreg s22  }
0x10: {  	s4 =	sshrl.u32 s4, $0x3;
	s24 =	sadd.s32 $0x6400, s10;
	[dreg:$0x9] =	wrdreg s23  }
0x11: {  	s25 =	sadd.s32 $0x7800, s10;
	s26 =	sadd.s32 $0x8C00, s10;
	[dreg:$0xa] =	wrdreg s24  }
0x12: {  	s1 =	sadd.s32 s4, s1;
	s4 =	smax.u32 s15, $0x1;
	[dreg:$0xb] =	wrdreg s25  }
.Ltmp0:
0x13: {  	[dreg:$0xc] =	wrdreg s26;
	s21 =	simm.s32 $0x50;
	(pc) =	sbr.rel .LBB2_1-.Ltmp0, $4  }
0x14: {  	s22 =	simm.s32 $0x23A0;
	s23 =	simm.s32 $0x1;
	s24 =	simm.s32 $0xA0  }
0x15: {  	s25 =	sshrl.u32 s17, $0x3;
	s1 =	sadd.s32 $0x16A00, s1;
	[dreg:$0x5] =	wrdreg s4  }
0x16: {  	s26 =	simm.s32 $0x37A0;
	[dreg:$0x4] =	wrdreg s1;
	s1 =	sadd.s32 $0x1400, s10  }
0x17: {  	v0 =	vimm.f32 $0.0e+00;
	s4 =	simm.s32 $0x5;
	[dreg:$0x6] =	wrdreg s1;
	s1 =	simm.s32 $0x3  }
.LBB2_8:
0x18: {  	s13 =	stileid.u32  }
0x19: {  	[bflag:$0x0] =	sbarrier.arrive $0xFFFF;
	s13 =	sshll.u32 s13, $0x6  }
0x1a: {  	s14 =	rddreg [dreg:$0x4];
	s13 =	sor.u32 $0x1C07, s13  }
0x1b: {  	[hbm:s14], [sflag:s13] =	dma.local [spmem:s25], $0x1400  }
0x1c: {  	_ =	swait.ge [sflag:s19], $0x1400  }
0x1d: {  	s12 =	sadd.s32 $0x1, s12;
	s17 =	rddreg [dreg:$0x5]  }
0x1e: {  	p0 =	sne.s32 s12, s17  }
.Ltmp1:
0x1f: {  	_ = 	snop;
	(pc) =	sbr.rel @!p0 .LBB2_9-.Ltmp1, $3  }
0x20: {  	_ =	sdelay $0x1  }
0x21: {  	[sflag:s19] =	ssyncset.done $0x0  }
0x22: {  	[sflag:s19] =	ssyncadd.s32 $0xFFFFEC00  }
.LBB2_1:
0x23: {  	s14 =	simm.s32 $0x0  }
0x24: {  	s13 =	sand.u32 $0x7F00, s14  }
0x25: {  	s14 =	sand.u32 $0x30, s14;
	s15 =	sshrl.u32 s13, $0x2  }
0x26: {  	s13 =	simm.s32 $0x40;
	s15 =	sor.u32 s14, s15;
	s14 =	simm.s32 $0x0  }
.LBB2_2:
0x27: {  	p0 =	sne.s32 s13, $0x4FC0  }
0x28: {  	[tilespmem:s15+$0xFA0] =	vst v0;
	s14 =	sadd.s32 $0x10, s14;
	s15 =	smov.u32 s13;
	s13 =	sadd.s32 $0x40, s13  }
.Ltmp2:
0x29: {  	(pc) =	sbr.rel @p0 .LBB2_2-.Ltmp2, $4  }
0x2a: {  	_ = 	snop  }
0x2b: {  	s15 =	sand.u32 $0x7F00, s15  }
0x2c: {  	s16 =	sand.u32 $0x30, s14;
	s15 =	sshrl.u32 s15, $0x2  }
0x2d: {  	s15 =	sor.u32 s16, s15  }
0x2e: {  	[tilespmem:s15+$0xFA0] =	vst v0  }
0x2f: {  	[spmem:s10] =	stream.linear.scatter [tilespmem:s18], [sflag:$0x7], $0x1400, $0x38;
	[tilespmem:$0xEBA0] =	vst v63  }
0x30: {  	_ =	swait.ge [sflag:s19], $0x1400  }
0x31: {  	[sflag:s19] =	ssyncset.done $0x0  }
0x32: {  	s13 =	rddreg [dreg:$0x6];
	[sflag:s19] =	ssyncadd.s32 $0xFFFFEC00  }
0x33: {  	[spmem:s13] =	stream.linear.scatter [tilespmem:s18], [sflag:$0x7], $0x1400, $0x38;
	[tilespmem:$0xEBA0] =	vst v63  }
0x34: {  	_ =	swait.ge [sflag:s19], $0x1400  }
0x35: {  	[sflag:s19] =	ssyncset.done $0x0  }
0x36: {  	s16 =	rddreg [dreg:$0x7];
	[sflag:s19] =	ssyncadd.s32 $0xFFFFEC00  }
0x37: {  	[spmem:s16] =	stream.linear.scatter [tilespmem:s18], [sflag:$0x7], $0x1400, $0x38;
	[tilespmem:$0xEBA0] =	vst v63  }
0x38: {  	_ =	swait.ge [sflag:s19], $0x1400  }
0x39: {  	[sflag:s19] =	ssyncset.done $0x0  }
0x3a: {  	s17 =	rddreg [dreg:$0x8];
	[sflag:s19] =	ssyncadd.s32 $0xFFFFEC00  }
0x3b: {  	[spmem:s17] =	stream.linear.scatter [tilespmem:s18], [sflag:$0x7], $0x1400, $0x38;
	[tilespmem:$0xEBA0] =	vst v63  }
0x3c: {  	_ =	swait.ge [sflag:s19], $0x1400  }
0x3d: {  	[sflag:s19] =	ssyncset.done $0x0  }
0x3e: {  	s14 =	rddreg [dreg:$0x9];
	[sflag:s19] =	ssyncadd.s32 $0xFFFFEC00  }
0x3f: {  	[spmem:s14] =	stream.linear.scatter [tilespmem:s18], [sflag:$0x7], $0x1400, $0x38;
	[tilespmem:$0xEBA0] =	vst v63  }
0x40: {  	_ =	swait.ge [sflag:s19], $0x1400  }
0x41: {  	[sflag:s19] =	ssyncset.done $0x0  }
0x42: {  	s15 =	rddreg [dreg:$0xa];
	[sflag:s19] =	ssyncadd.s32 $0xFFFFEC00  }
0x43: {  	[spmem:s15] =	stream.linear.scatter [tilespmem:s18], [sflag:$0x7], $0x1400, $0x38;
	[tilespmem:$0xEBA0] =	vst v63  }
0x44: {  	_ =	swait.ge [sflag:s19], $0x1400  }
0x45: {  	[sflag:s19] =	ssyncset.done $0x0  }
0x46: {  	s16 =	rddreg [dreg:$0xb];
	[sflag:s19] =	ssyncadd.s32 $0xFFFFEC00  }
0x47: {  	[spmem:s16] =	stream.linear.scatter [tilespmem:s18], [sflag:$0x7], $0x1400, $0x38;
	[tilespmem:$0xEBA0] =	vst v63  }
0x48: {  	_ =	swait.ge [sflag:s19], $0x1400  }
0x49: {  	[sflag:s19] =	ssyncset.done $0x0  }
0x4a: {  	s17 =	rddreg [dreg:$0xc];
	[sflag:s19] =	ssyncadd.s32 $0xFFFFEC00  }
0x4b: {  	[spmem:s17] =	stream.linear.scatter [tilespmem:s18], [sflag:$0x7], $0x1400, $0x38;
	[tilespmem:$0xEBA0] =	vst v63  }
.Ltmp3:
0x4c: {  	_ =	swait.ge [sflag:s19], $0x1400;
	(pc) =	sbr.rel .LBB2_4-.Ltmp3, $4  }
0x4d: {  	[sflag:s19] =	ssyncset.done $0x0  }
0x4e: {  	[sflag:s19] =	ssyncadd.s32 $0xFFFFEC00  }
0x4f: {  	[bflag:$0x0] =	sbarrier.arrive $0xFFFF  }
0x50: {  	s13 =	simm.s32 $0x0;
	s14 =	simm.s32 $0x0  }
.LBB2_7:
0x51: {  	_ =	swait.ge [sflag:s23], $0x1400  }
0x52: {  	[sflag:s23] =	ssyncset.done $0x0  }
0x53: {  	s14 =	sadd.s32 $0x1, s14;
	[sflag:s23] =	ssyncadd.s32 $0xFFFFEC00  }
0x54: {  	[spmem:s3] =	stream.indirect.scatter.add.f32 [tilespmem:s18], [sflag:$0x4], $0x40, s11, s21, $0xb8;
	[tilespmem:$0xEBA0] =	vst v63  }
0x55: {  	p0 =	sne.s32 s14, $0x5;
	_ =	swait.ge [sflag:s9], $0x1400  }
.Ltmp4:
0x56: {  	[sflag:s9] =	ssyncset.done $0x0;
	(pc) =	sbr.rel @!p0 .LBB2_8-.Ltmp4, $4  }
0x57: {  	[sflag:s9] =	ssyncadd.s32 $0xFFFFEC00  }
0x58: {  	_ =	swait.ge [sflag:s30], $0x1400  }
0x59: {  	[sflag:s30] =	ssyncset.done $0x0  }
0x5a: {  	[sflag:s30] =	ssyncadd.s32 $0xFFFFEC00  }
.LBB2_4:
0x5b: {  	s15 =	smul.u32 $0x7D0, s14;
	_ =	sdelay $0x1  }
0x5c: {  	s15 =	sadd.s32 s7, s15  }
0x5d: {  	s15 =	sshrl.u32 s15, $0x3  }
0x5e: {  	s16 =	sadd.s32 s5, s15  }
0x5f: {  	[tilespmem:s13], [sflag:$0x7] =	stream.linear.gather [hbm4b:s16+s13], $0x7D0, $0x38;
	[tilespmem:$0xEBA0] =	vst v63  }
0x60: {  	_ =	swait.ge [sflag:s19], $0x7D0  }
0x61: {  	[sflag:s19] =	ssyncset.done $0x0  }
0x62: {  	s15 =	sadd.s32 s6, s15;
	[sflag:s19] =	ssyncadd.s32 $0xFFFFF830  }
0x63: {  	[tilespmem:s20], [sflag:$0x7] =	stream.linear.gather [hbm4b:s15+s13], $0x7D0, $0x38;
	[tilespmem:$0xEBA0] =	vst v63  }
0x64: {  	_ =	swait.ge [sflag:s19], $0x7D0  }
0x65: {  	[sflag:s19] =	ssyncset.done $0x0  }
0x66: {  	[sflag:s19] =	ssyncadd.s32 $0xFFFFF830  }
0x67: {  	[tilespmem:s18], [sflag:$0x1] =	stream.indirect.gather [hbm4b:s0+s21], $0x40, s13, s21, $0xb8;
	[tilespmem:$0xEBA0] =	vst v63  }
0x68: {  	_ = 	snop  }
0x69: {  	[tilespmem:s22], [sflag:$0x2] =	stream.indirect.gather [hbm4b:s0+s21], $0x40, s21, s21, $0xb8;
	[tilespmem:$0xEBA0] =	vst v63  }
0x6a: {  	_ =	swait.ge [sflag:s23], $0x1400  }
0x6b: {  	[sflag:s23] =	ssyncset.done $0x0  }
0x6c: {  	[sflag:s23] =	ssyncadd.s32 $0xFFFFEC00  }
0x6d: {  	[spmem:s3] =	stream.indirect.scatter.add.f32 [tilespmem:s18], [sflag:$0x4], $0x40, s20, s21, $0xb8;
	[tilespmem:$0xEBA0] =	vst v63  }
0x6e: {  	_ = 	snop  }
0x6f: {  	[tilespmem:s26], [sflag:$0x3] =	stream.indirect.gather [hbm4b:s0+s21], $0x40, s24, s21, $0xb8;
	[tilespmem:$0xEBA0] =	vst v63  }
0x70: {  	_ =	swait.ge [sflag:s28], $0x1400  }
0x71: {  	[sflag:s28] =	ssyncset.done $0x0  }
0x72: {  	[sflag:s28] =	ssyncadd.s32 $0xFFFFEC00  }
0x73: {  	[spmem:s3] =	stream.indirect.scatter.add.f32 [tilespmem:s22], [sflag:$0x5], $0x40, s29, s21, $0xb8;
	[tilespmem:$0xEBA0] =	vst v63  }
0x74: {  	_ =	swait.ge [sflag:s30], $0x1400  }
0x75: {  	[sflag:s30] =	ssyncset.done $0x0  }
0x76: {  	[sflag:s30] =	ssyncadd.s32 $0xFFFFEC00  }
0x77: {  	[tilespmem:s18], [sflag:$0x1] =	stream.indirect.gather [hbm4b:s0+s21], $0x40, s31, s21, $0xb8;
	[tilespmem:$0xEBA0] =	vst v63  }
0x78: {  	_ =	swait.ge [sflag:s1], $0x1400  }
0x79: {  	[sflag:s1] =	ssyncset.done $0x0  }
0x7a: {  	[sflag:s1] =	ssyncadd.s32 $0xFFFFEC00  }
0x7b: {  	[spmem:s3] =	stream.indirect.scatter.add.f32 [tilespmem:s26], [sflag:$0x6], $0x40, s2, s21, $0xb8;
	[tilespmem:$0xEBA0] =	vst v63  }
0x7c: {  	_ =	swait.ge [sflag:s4], $0x1400  }
0x7d: {  	[sflag:s4] =	ssyncset.done $0x0  }
0x7e: {  	s15 =	simm.s32 $0x0;
	[sflag:s4] =	ssyncadd.s32 $0xFFFFEC00  }
0x7f: {  	[tilespmem:s22], [sflag:$0x2] =	stream.indirect.gather [hbm4b:s0+s21], $0x40, s8, s21, $0xb8;
	[tilespmem:$0xEBA0] =	vst v63  }
.LBB2_5:
0x80: {  	_ =	swait.ge [sflag:s23], $0x1400  }
0x81: {  	s16 =	sshra.s32 s15, $0x2;
	[sflag:s23] =	ssyncset.done $0x0  }
0x82: {  	s17 =	sadd.s32 $0x8C0, s16;
	[sflag:s23] =	ssyncadd.s32 $0xFFFFEC00  }
0x83: {  	[spmem:s3] =	stream.indirect.scatter.add.f32 [tilespmem:s18], [sflag:$0x4], $0x40, s17, s21, $0xb8;
	[tilespmem:$0xEBA0] =	vst v63  }
0x84: {  	_ =	swait.ge [sflag:s9], $0x1400  }
0x85: {  	[sflag:s9] =	ssyncset.done $0x0  }
0x86: {  	s17 =	sadd.s32 $0x190, s16;
	[sflag:s9] =	ssyncadd.s32 $0xFFFFEC00  }
0x87: {  	[tilespmem:s26], [sflag:$0x3] =	stream.indirect.gather [hbm4b:s0+s21], $0x40, s17, s21, $0xb8;
	[tilespmem:$0xEBA0] =	vst v63  }
0x88: {  	_ =	swait.ge [sflag:s28], $0x1400  }
0x89: {  	[sflag:s28] =	ssyncset.done $0x0  }
0x8a: {  	s17 =	sadd.s32 $0x910, s16;
	[sflag:s28] =	ssyncadd.s32 $0xFFFFEC00  }
0x8b: {  	[spmem:s3] =	stream.indirect.scatter.add.f32 [tilespmem:s22], [sflag:$0x5], $0x40, s17, s21, $0xb8;
	[tilespmem:$0xEBA0] =	vst v63  }
0x8c: {  	_ =	swait.ge [sflag:s30], $0x1400  }
0x8d: {  	[sflag:s30] =	ssyncset.done $0x0  }
0x8e: {  	s17 =	sadd.s32 $0x1E0, s16;
	[sflag:s30] =	ssyncadd.s32 $0xFFFFEC00  }
0x8f: {  	[tilespmem:s18], [sflag:$0x1] =	stream.indirect.gather [hbm4b:s0+s21], $0x40, s17, s21, $0xb8;
	[tilespmem:$0xEBA0] =	vst v63  }
0x90: {  	_ =	swait.ge [sflag:s1], $0x1400  }
0x91: {  	p0 =	seq.s32 s15, $0x1680;
	[sflag:s1] =	ssyncset.done $0x0  }
.Ltmp5:
0x92: {  	s17 =	sadd.s32 $0x960, s16;
	[sflag:s1] =	ssyncadd.s32 $0xFFFFEC00;
	(pc) =	sbr.rel @p0 .LBB2_7-.Ltmp5, $4  }
0x93: {  	[spmem:s3] =	stream.indirect.scatter.add.f32 [tilespmem:s26], [sflag:$0x6], $0x40, s17, s21, $0xb8;
	[tilespmem:$0xEBA0] =	vst v63  }
0x94: {  	_ =	swait.ge [sflag:s4], $0x1400  }
0x95: {  	[sflag:s4] =	ssyncset.done $0x0  }
0x96: {  	[sflag:s4] =	ssyncadd.s32 $0xFFFFEC00  }
.Ltmp6:
0x97: {  	(pc) =	sbr.rel .LBB2_5-.Ltmp6, $3  }
0x98: {  	_ =	sdelay $0x1  }
0x99: {  	s16 =	sadd.s32 $0x230, s16;
	s15 =	sadd.s32 $0x3C0, s15  }
0x9a: {  	[tilespmem:s22], [sflag:$0x2] =	stream.indirect.gather [hbm4b:s0+s21], $0x40, s16, s21, $0xb8;
	[tilespmem:$0xEBA0] =	vst v63  }
.LBB2_9:
0x9b: {  	_ =	sfence.sel $0x180000  }
0x9c: {  	[bflag:$0x0] =	sbarrier.arrive $0xFFFF  }
0x9d: {  	_ =	strace $0x9000004D  }
0x9e: {  	s0 =	stileid.u32;
	[bflag:$0x2] =	sbarrier.arrive $0xFFFF  }
0x9f: {  	p0 =	sne.s32 s0, $0x0;
	s0 =	rddreg [dreg:$0x3]  }
0xa0: {  	s0 =	sadd.s32 @!p0 $0x100000, s0  }
0xa1: {  	[sflag:s0] =	ssyncadd.tile.s32 @!p0 $0x1;
	_ =	shalt  }
.Lfunc_end2:
_tile_overlayer_lowered:
.L_overlay_start_2:
0xa2: {  	(tag) =	ssettag $0x2  }
0xa3: {  	s0 =	rddreg [dreg:$0x0];
	s2 =	stileid.u32  }
0xa4: {  	s1 =	rddreg [dreg:$0x1];
	p0 =	sne.s32 s2, $0x0  }
0xa5: {  	s3 =	rddreg [dreg:$0x2];
	[bflag:$0x3] =	sbarrier.arrive $0xFFFF;
	s2 =	simm.s32 @!p0 $0x1C07  }
0xa6: {  	[timem:s3], [sflag:s2] =	dma.local @!p0 [hbm:s0], s1  }
0xa7: {  	s0 =	simm.s32 @!p0 $0x7  }
0xa8: {  	_ =	swait.ge @!p0 [sflag:s0], s1  }
0xa9: {  	s1 =	ssub.s32 @!p0 $0x0, s1;
	[sflag:s0] =	ssyncset.done @!p0 $0x0  }
0xaa: {  	[sflag:s0] =	ssyncadd.s32 @!p0 s1  }
0xab: {  	[bflag:$0x3] =	sbarrier.arrive $0xFFFF  }
0xac: {  	_ =	shalt  }

// kernel: kernel.9.cloned.1.call-start
scs
__scs_entry_jumppad:
0x0: {  	(pc) =	sbr.rel $0x88, $3  }
0x1: {  	(tag) =	ssettag $0x0;
	lr =	simm.s32 $0x1  }
0x2: {  	[smem:$0x3F9B] =	sst lr;
	_ =	strace $0xD0000000  }
0x3: {  	_ = 	snop  }
0x4: {  	_ = 	snop  }
0x5: {  	_ = 	snop  }
0x6: {  	_ = 	snop  }
0x7: {  	_ = 	snop  }
__scs_overlays_trampoline_lowered:
0x8: {  	[smem:$0x3FAA] =	sst s0  }
0x9: {  	[smem:$0x3FAB] =	sst s1  }
0xa: {  	[smem:$0x3FAC] =	sst s2  }
0xb: {  	[smem:$0x3FAD] =	sst s3  }
0xc: {  	[smem:$0x3FAE] =	sst s4  }
0xd: {  	[smem:$0x3FAF] =	sst s5  }
0xe: {  	[smem:$0x3FB0] =	sst s6  }
0xf: {  	[smem:$0x3FB1] =	sst s7  }
0x10: {  	[smem:$0x3FB2] =	sst s8  }
0x11: {  	[smem:$0x3FB3] =	sst s9;
	s0 =	simm.s32 @!p0 $0x0  }
0x12: {  	s1 =	sld [smem:$0x3F99];
	s0 =	simm.s32 @p0 $0x1  }
0x13: {  	[smem:$0x3FB4] =	sst s0;
	s0 =	simm.s32 @!p1 $0x0  }
0x14: {  	s2 =	sld [smem:$0x3F98];
	s0 =	simm.s32 @p1 $0x1  }
0x15: {  	[smem:$0x3FB5] =	sst s0;
	s0 =	simm.s32 @!p2 $0x0  }
0x16: {  	s3 =	sld [smem:$0x3FDB];
	s0 =	simm.s32 @p2 $0x1  }
0x17: {  	s4 =	simm.s32 $0x1BF5;
	[smem:$0x3FB7] =	sst s0  }
0x18: {  	s0 =	sld [smem:$0x3F9A];
	_ =	swait.ge [sflag:s4], $0x0  }
0x19: {  	s7 =	sld [smem:$0x3F9B]  }
0x1a: {  	s8 =	sadd.s32 $0xFFFFE003, lr  }
0x1b: {  	s9 =	sadd.s32 $0xFFFFFEF7, lr;
	s5 =	simm.s32 $0xFFFFFFFF;
	p2 =	slt.u32 s8, $0xFFFFF086  }
0x1c: {  	p1 =	slt.u32 s9, $0xF7A;
	s5 =	simm.s32 @!p2 $0x0  }
0x1d: {  	s5 =	simm.s32 @p1 $0x1;
	p0 =	seq.s32 s7, s2  }
0x1e: {  	s7 =	smul.u32 @!p0 $0xF7A, s2;
	p2 =	seq.s32 @!p0 s5, $0x0  }
0x1f: {  	s9 =	smul.u32 $0xF7A, s1;
	s8 =	simm.s32 @!p0 $0x1BF5;
	p2 =	por !p2, p0  }
0x20: {  	[sflag:s8] =	ssyncset.s32 @!p0 $0xFFFFF086;
	s6 =	sadd.s32 @!p0 s3, s7;
	s7 =	simm.s32 @!p0 $0x108  }
0x21: {  	s3 =	sadd.s32 s3, s9;
	s6 =	sadd.s32 @!p0 $0x88, s6;
	s7 =	simm.s32 @p2 $0x1082  }
0x22: {  	[simem:s7], [sflag:s8] =	dma.local @!p0 [hbm:s6], $0xF7A  }
0x23: {  	s9 =	sor.u32 $0xD0000000, s2;
	s6 =	simm.s32 $0x108;
	_ =	swait.ge @!p0 [sflag:s8], $0x0  }
0x24: {  	s3 =	sadd.s32 $0x88, s3;
	s6 =	simm.s32 @!p1 $0x1082;
	[sflag:s4] =	ssyncset.s32 $0xFFFFF086  }
0x25: {  	[simem:s6], [sflag:s4] =	dma.local [hbm:s3], $0xF7A  }
0x26: {  	[smem:$0x3F9B] =	sst s1;
	(tag) =	ssettag s2;
	_ =	strace s9  }
0x27: {  	s1 =	sld [smem:$0x3FAB]  }
0x28: {  	s2 =	sld [smem:$0x3FAC]  }
0x29: {  	s4 =	sld [smem:$0x3FAE]  }
0x2a: {  	p0 =	seq.s32 s5, $0x0;
	s5 =	sld [smem:$0x3FAF]  }
0x2b: {  	s6 =	sld [smem:$0x3FB0]  }
0x2c: {  	s7 =	sld [smem:$0x3FB1]  }
0x2d: {  	s3 =	simm.s32 $0x108;
	s8 =	sld [smem:$0x3FB2]  }
0x2e: {  	s3 =	simm.s32 @!p0 $0x1082;
	s9 =	sld [smem:$0x3FB3]  }
0x2f: {  	lr =	sadd.s32 s0, s3;
	s0 =	sld [smem:$0x3FAA]  }
0x30: {  	s3 =	sld [smem:$0x3FAD]  }
0x31: {  	[smem:$0x3FB6] =	sst s10  }
0x32: {  	s10 =	sld [smem:$0x3FB4];
	_ =	sdelay $0x3  }
0x33: {  	p0 =	seq.s32 s10, $0x1;
	s10 =	sld [smem:$0x3FB6];
	_ =	sdelay $0x3  }
0x34: {  	[smem:$0x3FB6] =	sst s10  }
0x35: {  	s10 =	sld [smem:$0x3FB5];
	_ =	sdelay $0x3  }
0x36: {  	p1 =	seq.s32 s10, $0x1;
	s10 =	sld [smem:$0x3FB6];
	_ =	sdelay $0x3  }
0x37: {  	[smem:$0x3FB6] =	sst s10  }
0x38: {  	s10 =	sld [smem:$0x3FB7]  }
0x39: {  	_ = 	snop;
	(pc) =	sbr.ind lr, $3  }
0x3a: {  	_ = 	snop  }
0x3b: {  	_ = 	snop  }
0x3c: {  	p2 =	seq.s32 s10, $0x1;
	s10 =	sld [smem:$0x3FB6]  }
0x3d: {  	_ =	shalt  }
0x3e: {  	_ =	shalt  }
0x3f: {  	_ =	shalt  }
0x40: {  	_ =	shalt  }
0x41: {  	_ =	shalt  }
0x42: {  	_ =	shalt  }
0x43: {  	_ =	shalt  }
0x44: {  	_ =	shalt  }
0x45: {  	_ =	shalt  }
0x46: {  	_ =	shalt  }
0x47: {  	_ =	shalt  }
0x48: {  	_ =	shalt  }
0x49: {  	_ =	shalt  }
0x4a: {  	_ =	shalt  }
0x4b: {  	_ =	shalt  }
0x4c: {  	_ =	shalt  }
0x4d: {  	_ =	shalt  }
0x4e: {  	_ =	shalt  }
0x4f: {  	_ =	shalt  }
0x50: {  	_ =	shalt  }
0x51: {  	_ =	shalt  }
0x52: {  	_ =	shalt  }
0x53: {  	_ =	shalt  }
0x54: {  	_ =	shalt  }
0x55: {  	_ =	shalt  }
0x56: {  	_ =	shalt  }
0x57: {  	_ =	shalt  }
0x58: {  	_ =	shalt  }
0x59: {  	_ =	shalt  }
0x5a: {  	_ =	shalt  }
0x5b: {  	_ =	shalt  }
0x5c: {  	_ =	shalt  }
0x5d: {  	_ =	shalt  }
0x5e: {  	_ =	shalt  }
0x5f: {  	_ =	shalt  }
0x60: {  	_ =	shalt  }
0x61: {  	_ =	shalt  }
0x62: {  	_ =	shalt  }
0x63: {  	_ =	shalt  }
0x64: {  	_ =	shalt  }
0x65: {  	_ =	shalt  }
0x66: {  	_ =	shalt  }
0x67: {  	_ =	shalt  }
0x68: {  	_ =	shalt  }
0x69: {  	_ =	shalt  }
0x6a: {  	_ =	shalt  }
0x6b: {  	_ =	shalt  }
0x6c: {  	_ =	shalt  }
0x6d: {  	_ =	shalt  }
0x6e: {  	_ =	shalt  }
0x6f: {  	_ =	shalt  }
0x70: {  	_ =	shalt  }
0x71: {  	_ =	shalt  }
0x72: {  	_ =	shalt  }
0x73: {  	_ =	shalt  }
0x74: {  	_ =	shalt  }
0x75: {  	_ =	shalt  }
0x76: {  	_ =	shalt  }
0x77: {  	_ =	shalt  }
0x78: {  	_ =	shalt  }
0x79: {  	_ =	shalt  }
0x7a: {  	_ =	shalt  }
0x7b: {  	_ =	shalt  }
0x7c: {  	_ =	shalt  }
0x7d: {  	_ =	shalt  }
0x7e: {  	_ =	shalt  }
0x7f: {  	_ =	shalt  }
0x80: {  	_ =	shalt  }
0x81: {  	_ =	shalt  }
0x82: {  	_ =	shalt  }
0x83: {  	_ =	shalt  }
0x84: {  	_ =	shalt  }
0x85: {  	_ =	shalt  }
0x86: {  	_ =	shalt  }
0x87: {  	_ =	shalt  }
.Lfunc_end0:
.L_simem_size_0:
called_computation_lowered:
.L_overlay_start_0:
0x88: {  	s2 =	sld [smem:$0x3FD9]  }
0x89: {  	s3 =	sld [smem:$0x3FFE];
	_ =	sdelay $0x1  }
0x8a: {  	s1 =	srdreg.scid  }
0x8b: {  	s0 =	sand.u32 $0x1, s1  }
0x8c: {  	s17 =	sshll.u32 s0, $0xA;
	s2 =	sadd.s32 s3, s2  }
0x8d: {  	s2 =	sadd.s32 s2, s17  }
0x8e: {  	[smem:$0x3FC2] =	sst s2  }
0x8f: {  	_ = 	snop  }
0x90: {  	s2 =	sld [smem:$0x3FD0];
	(tm) =	ssettm $0x1  }
0x91: {  	s18 =	sld [smem:$0x3FFB];
	_ =	sdelay $0x3  }
0x92: {  	_ =	strace s18  }
0x93: {  	s3 =	sld [smem:$0x3FFC];
	_ =	sdelay $0x3  }
0x94: {  	_ =	strace s3  }
0x95: {  	s3 =	sld [smem:$0x3FFD];
	_ =	sdelay $0x3  }
0x96: {  	_ =	strace s3  }
0x97: {  	_ =	strace $0x8FFFFFFF  }
0x98: {  	s19 =	sld [smem:$0x3FDB];
	_ =	sdelay $0x1  }
0x99: {  	s4 =	simm.s32 $_scs_section_size  }
0x9a: {  	s5 =	simm.s32 $_size__tile_overlayer_lowered;
	s6 =	simm.s32 $_tile_overlayer_lowered  }
0x9b: {  	s22 =	simm.s32 $0x1BFF;
	s21 =	sshll.u32 s6, $0x1;
	s3 =	sadd.s32 s4, s19  }
0x9c: {  	s7 =	simm.s32 $0x0;
	s20 =	sshll.u32 s5, $0x1;
	s5 =	sadd.s32 s21, s3  }
0x9d: {  	[timem:s7], [sflag:s22] =	dma.local [hbm:s5], s20  }
0x9e: {  	_ =	swait.ge [sflag:s22], s20  }
0x9f: {  	s4 =	ssub.s32 $0x0, s20;
	[sflag:s22] =	ssyncset.done $0x0  }
0xa0: {  	[sflag:s22] =	ssyncadd.s32 s4;
	_ =	sdelay $0x1  }
0xa1: {  	s23 =	simm.s32 $0x1B8B  }
0xa2: {  	_ =	swait.ge [sflag:s23], $0x1  }
0xa3: {  	[sflag:s23] =	ssyncset.done $0x0  }
0xa4: {  	s25 =	simm.s32 $0x1B8E;
	s24 =	sld [smem:$0x3FFE];
	[sflag:s23] =	ssyncadd.s32 $0xFFFFFFFF  }
0xa5: {  	s26 =	simm.s32 $execute0_lowered;
	[smem:$0x3FD2] =	sst s25  }
0xa6: {  	s5 =	sshll.u32 s26, $0x1;
	_ =	strace $0x80000046;
	[dreg:$0x1] =	wrdreg $0xFFFFFFFF  }
0xa7: {  	s28 =	simm.s32 $_size_execute0_lowered;
	s3 =	sadd.s32 s3, s5;
	[dreg:$0x0] =	wrdreg $0x0  }
0xa8: {  	s5 =	sshll.u32 s28, $0x1;
	[dreg:$0x2] =	wrdreg s3  }
0xa9: {  	[dreg:$0x3] =	wrdreg s5  }
0xaa: {  	[dreg:$0x4] =	wrdreg $0xC0  }
0xab: {  	_ =	task [dreg:s7], $0x5FFFF  }
0xac: {  	[dreg:$0x1] =	wrdreg $0xFFFFFFFF  }
0xad: {  	[dreg:$0x0] =	wrdreg $0x60  }
0xae: {  	[dreg:$0x2] =	wrdreg s24  }
0xaf: {  	[dreg:$0x3] =	wrdreg s2  }
0xb0: {  	[dreg:$0x4] =	wrdreg $0x13000  }
0xb1: {  	[dreg:$0x5] =	wrdreg $0x9  }
0xb2: {  	_ =	task.clear_ibuf [dreg:s7], $0x6FFFF;
	_ =	strace $0x90000046  }
0xb3: {  	s29 =	simm.s32 $0x9;
	_ =	strace $0x80000048  }
0xb4: {  	_ =	swait.ge [sflag:s29], $0x1  }
0xb5: {  	[sflag:s29] =	ssyncadd.s32 $0xFFFFFFFF  }
0xb6: {  	_ =	strace $0x90000048  }
0xb7: {  	_ =	sfence  }
0xb8: {  	s30 =	sld [smem:$0x0];
	_ =	sdelay $0x2  }
0xb9: {  	s31 =	sshll.u32 s1, $0xD;
	s1 =	sshrl.u32 s1, $0x2  }
0xba: {  	s3 =	sand.u32 $0x4000, s31;
	s1 =	sadd.s32 s1, s30  }
0xbb: {  	s0 =	sor.u32 s3, s0;
	s1 =	sshll.u32 s1, $0x11  }
0xbc: {  	s0 =	sor.u32 s1, s0  }
0xbd: {  	s0 =	sadd.s32 $0x8F2B, s0  }
0xbe: {  	[sflag:s0] =	ssyncadd.remote.s32 $0x1  }
0xbf: {  	_ =	sfence.sel $0xFFFF  }
0xc0: {  	[dreg:$0x0] =	wrdreg $0xFFFFFFFF;
	(pc) =	sbr.abs _section_cstart, $3  }
0xc1: {  	[dreg:$0x1] =	wrdreg $0xFFFFFFFF  }
0xc2: {  	_ =	task.clear_ibuf [dreg:s7], $0x2FFFF;
	_ =	strace $0x9FFFFFFF  }
0xc3: {  	(tm) =	ssettm $0x7FFFFFFF  }
tec
execute0_lowered:
.L_overlay_start_1:
0x0: {  	(tag) =	ssettag $0x1  }
0x1: {  	s4 =	rddreg [dreg:$0x0]  }
0x2: {  	s0 =	srdreg.scid;
	s11 =	rddreg [dreg:$0x1]  }
0x3: {  	s2 =	rddreg [dreg:$0x2];
	s1 =	stileid.u32  }
0x4: {  	s3 =	simm.s32 $0x0;
	s14 =	simm.s32 $0x50;
	s15 =	simm.s32 $0x1000  }
0x5: {  	s17 =	simm.s32 $0x0;
	s5 =	sand.u32 $0x1, s0;
	s0 =	rddreg [dreg:$0x3]  }
0x6: {  	[smem:$0x7FF] =	sst s3;
	s9 =	smul.u32 $0x280, s1;
	s12 =	sadd.s32 $0x2AA00, s4  }
0x7: {  	s16 =	sshll.u32 s1, $0x6;
	s6 =	sshll.u32 s5, $0x4;
	_ =	strace $0x80000047  }
0x8: {  	s7 =	ssub.s32 $0x2, s5;
	p0 =	seq.s32 s5, $0x1;
	s6 =	sor.u32 s1, s6  }
0x9: {  	s16 =	sor.u32 $0x1C01, s16;
	s8 =	sshrl.u32 s7, $0x1;
	s6 =	smul.u32 $0x5000, s6  }
0xa: {  	s13 =	sshrl.u32 s9, $0x3;
	s11 =	smov.u32 @p0 s12;
	s12 =	simm.s32 $0x1080  }
0xb: {  	s31 =	ssub.s32 s7, s8;
	s11 =	sadd.s32 s11, s13;
	s6 =	sshrl.u32 s6, $0x3  }
0xc: {  	s13 =	simm.s32 $0x1;
	s5 =	smax.u32 s31, $0x1;
	s10 =	sadd.s32 s6, s4  }
0xd: {  	s4 =	sadd.s32 s9, s2;
	s6 =	sadd.s32 $0x16A00, s10;
	s7 =	sadd.s32 $0x16C00, s10  }
0xe: {  	v0 =	vimm.f32 $1.000000000e+00;
	v1 =	vimm.f32 $0.0e+00;
	s8 =	sadd.s32 $0x16E00, s10;
	s9 =	sadd.s32 $0x17000, s10;
	s10 =	sadd.s32 $0x17200, s10  }
.LBB2_1:
0xf: {  	[tilespmem:$0x1000] =	vst v0  }
0x10: {  	[tilespmem:$0x1010] =	vst v0  }
0x11: {  	[tilespmem:$0x1020] =	vst v0  }
0x12: {  	[tilespmem:$0x1030] =	vst v0  }
0x13: {  	[tilespmem:$0x1040] =	vst v0  }
0x14: {  	[tilespmem:$0x1080] =	vst v1  }
0x15: {  	[tilespmem:$0x1090] =	vst v1  }
0x16: {  	[tilespmem:$0x10A0] =	vst v1  }
0x17: {  	[tilespmem:$0x10B0] =	vst v1  }
0x18: {  	[tilespmem:$0x10C0] =	vst v1  }
0x19: {  	[tilespmem:$0x10D0] =	vst v1  }
0x1a: {  	[tilespmem:$0x10E0] =	vst v1  }
0x1b: {  	[tilespmem:$0x10F0] =	vst v1  }
0x1c: {  	[tilespmem:$0x1100] =	vst v1  }
0x1d: {  	[tilespmem:$0x1110] =	vst v1  }
0x1e: {  	[tilespmem:$0x1120] =	vst v1  }
0x1f: {  	[tilespmem:$0x1130] =	vst v1  }
0x20: {  	[tilespmem:$0x1140] =	vst v1  }
0x21: {  	[tilespmem:$0x1150] =	vst v1  }
0x22: {  	[tilespmem:$0x1160] =	vst v1  }
0x23: {  	[tilespmem:$0x1170] =	vst v1  }
0x24: {  	[tilespmem:$0x1180] =	vst v1  }
0x25: {  	[tilespmem:$0x1190] =	vst v1  }
0x26: {  	[tilespmem:$0x11A0] =	vst v1  }
0x27: {  	[tilespmem:$0x11B0] =	vst v1  }
0x28: {  	[tilespmem:$0x11C0] =	vst v1  }
0x29: {  	[tilespmem:$0x11D0] =	vst v1  }
0x2a: {  	[tilespmem:$0x11E0] =	vst v1  }
0x2b: {  	[tilespmem:$0x11F0] =	vst v1  }
0x2c: {  	[tilespmem:$0x1200] =	vst v1  }
0x2d: {  	[tilespmem:$0x1210] =	vst v1  }
0x2e: {  	[tilespmem:$0x1220] =	vst v1  }
0x2f: {  	[tilespmem:$0x1230] =	vst v1  }
0x30: {  	[tilespmem:$0x1240] =	vst v1  }
0x31: {  	[tilespmem:$0x1250] =	vst v1  }
0x32: {  	[tilespmem:$0x1260] =	vst v1  }
0x33: {  	[tilespmem:$0x1270] =	vst v1  }
0x34: {  	[tilespmem:$0x1280] =	vst v1  }
0x35: {  	[tilespmem:$0x1290] =	vst v1  }
0x36: {  	[tilespmem:$0x12A0] =	vst v1  }
0x37: {  	[tilespmem:$0x12B0] =	vst v1  }
0x38: {  	[tilespmem:$0x12C0] =	vst v1  }
0x39: {  	[tilespmem:$0x12D0] =	vst v1  }
0x3a: {  	[tilespmem:$0x12E0] =	vst v1  }
0x3b: {  	[tilespmem:$0x12F0] =	vst v1  }
0x3c: {  	[spmem:s4] =	stream.linear.scatter [tilespmem:s12], [sflag:$0x1], $0x280, $0x38;
	[tilespmem:$0x1580] =	vst v63  }
0x3d: {  	_ =	swait.ge [sflag:s13], $0x280  }
0x3e: {  	[sflag:s13] =	ssyncset.done $0x0  }
0x3f: {  	[sflag:s13] =	ssyncadd.s32 $0xFFFFFD80  }
0x40: {  	[bflag:$0x0] =	sbarrier.arrive $0xFFFF  }
0x41: {  	[tilespmem:s3], [sflag:$0x1] =	stream.linear.gather [hbm4b:s6+s3], $0xC80, $0x38;
	[tilespmem:$0x1580] =	vst v63  }
0x42: {  	_ =	swait.ge [sflag:s13], $0xC80  }
0x43: {  	[sflag:s13] =	ssyncset.done $0x0  }
0x44: {  	s18 =	simm.s32 $0x0;
	[sflag:s13] =	ssyncadd.s32 $0xFFFFF380  }
0x45: {  	[spmem:s2] =	stream.indirect.scatter.add.f32 [tilespmem:s15], [sflag:$0x1], $0x1, s18, s14, $0xb8;
	[tilespmem:$0x1580] =	vst v63  }
0x46: {  	_ =	swait.ge [sflag:s13], $0x50  }
0x47: {  	s18 =	simm.s32 $0x200;
	[sflag:s13] =	ssyncset.done $0x0  }
.LBB2_2:
0x48: {  	s19 =	sshra.s32 s18, $0x2;
	[sflag:s13] =	ssyncadd.s32 $0xFFFFFFB0;
	p0 =	sne.s32 s18, $0x3000  }
0x49: {  	[spmem:s2] =	stream.indirect.scatter.add.f32 [tilespmem:s15], [sflag:$0x1], $0x1, s19, s14, $0xb8;
	[tilespmem:$0x1580] =	vst v63  }
.Ltmp0:
0x4a: {  	_ = 	snop;
	(pc) =	sbr.rel @p0 .LBB2_2-.Ltmp0, $4  }
0x4b: {  	_ = 	snop  }
0x4c: {  	s18 =	sadd.s32 $0x200, s18  }
0x4d: {  	_ =	swait.ge [sflag:s13], $0x50  }
0x4e: {  	[sflag:s13] =	ssyncset.done $0x0  }
0x4f: {  	[sflag:s13] =	ssyncadd.s32 $0xFFFFFFB0;
	s18 =	simm.s32 $0x0  }
0x50: {  	[tilespmem:s18], [sflag:$0x1] =	stream.linear.gather [hbm4b:s7+s18], $0xC80, $0x38;
	[tilespmem:$0x1580] =	vst v63  }
0x51: {  	_ =	swait.ge [sflag:s13], $0xC80  }
0x52: {  	[sflag:s13] =	ssyncset.done $0x0  }
0x53: {  	s31 =	simm.s32 $0x0;
	[sflag:s13] =	ssyncadd.s32 $0xFFFFF380  }
0x54: {  	[spmem:s2] =	stream.indirect.scatter.add.f32 [tilespmem:s15], [sflag:$0x1], $0x1, s31, s14, $0xb8;
	[tilespmem:$0x1580] =	vst v63  }
0x55: {  	_ =	swait.ge [sflag:s13], $0x50  }
0x56: {  	s18 =	simm.s32 $0x200;
	[sflag:s13] =	ssyncset.done $0x0  }
.LBB2_4:
0x57: {  	s19 =	sshra.s32 s18, $0x2;
	[sflag:s13] =	ssyncadd.s32 $0xFFFFFFB0;
	p0 =	sne.s32 s18, $0x3000  }
0x58: {  	[spmem:s2] =	stream.indirect.scatter.add.f32 [tilespmem:s15], [sflag:$0x1], $0x1, s19, s14, $0xb8;
	[tilespmem:$0x1580] =	vst v63  }
.Ltmp1:
0x59: {  	_ = 	snop;
	(pc) =	sbr.rel @p0 .LBB2_4-.Ltmp1, $4  }
0x5a: {  	_ = 	snop  }
0x5b: {  	s18 =	sadd.s32 $0x200, s18  }
0x5c: {  	_ =	swait.ge [sflag:s13], $0x50  }
0x5d: {  	[sflag:s13] =	ssyncset.done $0x0  }
0x5e: {  	[sflag:s13] =	ssyncadd.s32 $0xFFFFFFB0;
	s18 =	simm.s32 $0x0  }
0x5f: {  	[tilespmem:s18], [sflag:$0x1] =	stream.linear.gather [hbm4b:s8+s18], $0xC80, $0x38;
	[tilespmem:$0x1580] =	vst v63  }
0x60: {  	_ =	swait.ge [sflag:s13], $0xC80  }
0x61: {  	[sflag:s13] =	ssyncset.done $0x0  }
0x62: {  	s31 =	simm.s32 $0x0;
	[sflag:s13] =	ssyncadd.s32 $0xFFFFF380  }
0x63: {  	[spmem:s2] =	stream.indirect.scatter.add.f32 [tilespmem:s15], [sflag:$0x1], $0x1, s31, s14, $0xb8;
	[tilespmem:$0x1580] =	vst v63  }
0x64: {  	_ =	swait.ge [sflag:s13], $0x50  }
0x65: {  	s18 =	simm.s32 $0x200;
	[sflag:s13] =	ssyncset.done $0x0  }
.LBB2_6:
0x66: {  	s19 =	sshra.s32 s18, $0x2;
	[sflag:s13] =	ssyncadd.s32 $0xFFFFFFB0;
	p0 =	sne.s32 s18, $0x3000  }
0x67: {  	[spmem:s2] =	stream.indirect.scatter.add.f32 [tilespmem:s15], [sflag:$0x1], $0x1, s19, s14, $0xb8;
	[tilespmem:$0x1580] =	vst v63  }
.Ltmp2:
0x68: {  	_ = 	snop;
	(pc) =	sbr.rel @p0 .LBB2_6-.Ltmp2, $4  }
0x69: {  	_ = 	snop  }
0x6a: {  	s18 =	sadd.s32 $0x200, s18  }
0x6b: {  	_ =	swait.ge [sflag:s13], $0x50  }
0x6c: {  	[sflag:s13] =	ssyncset.done $0x0  }
0x6d: {  	[sflag:s13] =	ssyncadd.s32 $0xFFFFFFB0;
	s18 =	simm.s32 $0x0  }
0x6e: {  	[tilespmem:s18], [sflag:$0x1] =	stream.linear.gather [hbm4b:s9+s18], $0xC80, $0x38;
	[tilespmem:$0x1580] =	vst v63  }
0x6f: {  	_ =	swait.ge [sflag:s13], $0xC80  }
0x70: {  	[sflag:s13] =	ssyncset.done $0x0  }
0x71: {  	s31 =	simm.s32 $0x0;
	[sflag:s13] =	ssyncadd.s32 $0xFFFFF380  }
0x72: {  	[spmem:s2] =	stream.indirect.scatter.add.f32 [tilespmem:s15], [sflag:$0x1], $0x1, s31, s14, $0xb8;
	[tilespmem:$0x1580] =	vst v63  }
0x73: {  	_ =	swait.ge [sflag:s13], $0x50  }
0x74: {  	s18 =	simm.s32 $0x200;
	[sflag:s13] =	ssyncset.done $0x0  }
.LBB2_8:
0x75: {  	s19 =	sshra.s32 s18, $0x2;
	[sflag:s13] =	ssyncadd.s32 $0xFFFFFFB0;
	p0 =	sne.s32 s18, $0x3000  }
0x76: {  	[spmem:s2] =	stream.indirect.scatter.add.f32 [tilespmem:s15], [sflag:$0x1], $0x1, s19, s14, $0xb8;
	[tilespmem:$0x1580] =	vst v63  }
.Ltmp3:
0x77: {  	_ = 	snop;
	(pc) =	sbr.rel @p0 .LBB2_8-.Ltmp3, $4  }
0x78: {  	_ = 	snop  }
0x79: {  	s18 =	sadd.s32 $0x200, s18  }
0x7a: {  	_ =	swait.ge [sflag:s13], $0x50  }
0x7b: {  	[sflag:s13] =	ssyncset.done $0x0  }
0x7c: {  	[sflag:s13] =	ssyncadd.s32 $0xFFFFFFB0;
	s18 =	simm.s32 $0x0  }
0x7d: {  	[tilespmem:s18], [sflag:$0x1] =	stream.linear.gather [hbm4b:s10+s18], $0xC80, $0x38;
	[tilespmem:$0x1580] =	vst v63  }
0x7e: {  	_ =	swait.ge [sflag:s13], $0xC80  }
0x7f: {  	[sflag:s13] =	ssyncset.done $0x0  }
0x80: {  	s31 =	simm.s32 $0x0;
	[sflag:s13] =	ssyncadd.s32 $0xFFFFF380  }
0x81: {  	[spmem:s2] =	stream.indirect.scatter.add.f32 [tilespmem:s15], [sflag:$0x1], $0x1, s31, s14, $0xb8;
	[tilespmem:$0x1580] =	vst v63  }
0x82: {  	_ =	swait.ge [sflag:s13], $0x50  }
0x83: {  	s18 =	simm.s32 $0x200;
	[sflag:s13] =	ssyncset.done $0x0  }
.LBB2_10:
0x84: {  	s19 =	sshra.s32 s18, $0x2;
	[sflag:s13] =	ssyncadd.s32 $0xFFFFFFB0;
	p0 =	sne.s32 s18, $0x3000  }
0x85: {  	[spmem:s2] =	stream.indirect.scatter.add.f32 [tilespmem:s15], [sflag:$0x1], $0x1, s19, s14, $0xb8;
	[tilespmem:$0x1580] =	vst v63  }
.Ltmp4:
0x86: {  	_ = 	snop;
	(pc) =	sbr.rel @p0 .LBB2_10-.Ltmp4, $4  }
0x87: {  	_ = 	snop  }
0x88: {  	s18 =	sadd.s32 $0x200, s18  }
0x89: {  	_ =	swait.ge [sflag:s13], $0x50  }
0x8a: {  	[sflag:s13] =	ssyncset.done $0x0  }
0x8b: {  	s17 =	sadd.s32 $0x1, s17  }
0x8c: {  	[sflag:s13] =	ssyncadd.s32 $0xFFFFFFB0;
	p0 =	sne.s32 s17, s5  }
.Ltmp5:
0x8d: {  	s18 =	sshrl.u32 s4, $0x3;
	[bflag:$0x0] =	sbarrier.arrive $0xFFFF;
	(pc) =	sbr.rel @p0 .LBB2_1-.Ltmp5, $4  }
0x8e: {  	[hbm:s11], [sflag:s16] =	dma.local [spmem:s18], $0x50  }
0x8f: {  	_ =	swait.ge [sflag:s13], $0x50  }
0x90: {  	[sflag:s13] =	ssyncset.done $0x0  }
0x91: {  	[sflag:s13] =	ssyncadd.s32 $0xFFFFFFB0  }
0x92: {  	_ =	sfence.sel $0x180000  }
0x93: {  	[bflag:$0x0] =	sbarrier.arrive $0xFFFF  }
0x94: {  	p0 =	sne.s32 s1, $0x0;
	_ =	strace $0x90000047  }
0x95: {  	s0 =	sadd.s32 @!p0 $0x100000, s0;
	[bflag:$0x2] =	sbarrier.arrive $0xFFFF  }
0x96: {  	[sflag:s0] =	ssyncadd.tile.s32 @!p0 $0x1;
	_ =	shalt  }
.Lfunc_end2:
_tile_overlayer_lowered:
.L_overlay_start_2:
0x97: {  	(tag) =	ssettag $0x2  }
0x98: {  	s0 =	rddreg [dreg:$0x0];
	s2 =	stileid.u32  }
0x99: {  	s1 =	rddreg [dreg:$0x1];
	p0 =	sne.s32 s2, $0x0  }
0x9a: {  	s3 =	rddreg [dreg:$0x2];
	[bflag:$0x3] =	sbarrier.arrive $0xFFFF;
	s2 =	simm.s32 @!p0 $0x1C01  }
0x9b: {  	[timem:s3], [sflag:s2] =	dma.local @!p0 [hbm:s0], s1  }
0x9c: {  	s0 =	simm.s32 @!p0 $0x1  }
0x9d: {  	_ =	swait.ge @!p0 [sflag:s0], s1  }
0x9e: {  	s1 =	ssub.s32 @!p0 $0x0, s1;
	[sflag:s0] =	ssyncset.done @!p0 $0x0  }
0x9f: {  	[sflag:s0] =	ssyncadd.s32 @!p0 s1  }
0xa0: {  	[bflag:$0x3] =	sbarrier.arrive $0xFFFF  }
0xa1: {  	_ =	shalt  }

</sc_bundles>
